<compile_context>
chip_gen: v7x
topology: tpu7x:2x2x1
jax: 0.10.2.dev20260603
libtpu: 0.0.44.dev20260713+nightly
codegen_flags: <defaults>
</compile_context>

<pallas_src>
import functools

import jax
import jax.numpy as jnp
from jax import lax
from jax.experimental import pallas as pl
from jax.experimental.pallas import tpu as pltpu
from jax.experimental.pallas import tpu_sc as plsc

NC = 2
NS = 16
NW = NC * NS
K = 80
KD = 40

F32 = jnp.float32


def _sc_mesh():
    return plsc.VectorSubcoreMesh(
        core_axis_name="c", subcore_axis_name="s",
        num_cores=NC, num_subcores=NS)


def _deg_call(C, NP, ZR):

    @functools.partial(
        pl.kernel,
        out_type=jax.ShapeDtypeStruct((NC, NP, 16), F32),
        mesh=_sc_mesh(),
        scratch_types=[
            pltpu.VMEM((C, KD), jnp.int32),
            pltpu.VMEM((KD, 16), F32),
            pltpu.VMEM_SHARED((NP, 16), F32),
            pltpu.SemaphoreType.DMA,
        ],
        compiler_params=pltpu.CompilerParams(use_tc_tiling_on_sc=False),
    )
    def deg_kernel(dst_hbm, ones_hbm, z_hbm, out_hbm, dst_v, ones_v, acc, sem):
        cid = lax.axis_index("c")
        sid = lax.axis_index("s")
        wid = cid * NS + sid
        pltpu.sync_copy(z_hbm, acc.at[pl.ds(sid * ZR, ZR)])
        pltpu.sync_copy(dst_hbm.at[wid], dst_v)
        pltpu.sync_copy(ones_hbm, ones_v)
        plsc.subcore_barrier()

        def body(j, carry):
            pltpu.sync_copy(ones_v, acc.at[dst_v.at[j]], add=True)
            return carry

        lax.fori_loop(0, C, body, 0)
        plsc.subcore_barrier()
        pltpu.sync_copy(acc.at[pl.ds(sid * ZR, ZR)],
                        out_hbm.at[cid, pl.ds(sid * ZR, ZR)])

    return deg_kernel


def _scatter_call(D, C, NP, ZR, dt):

    @functools.partial(
        pl.kernel,
        out_type=jax.ShapeDtypeStruct((NC, NP, D), dt),
        mesh=_sc_mesh(),
        scratch_types=[
            pltpu.VMEM((C, K), jnp.int32),
            pltpu.VMEM((C, K), jnp.int32),
            pltpu.VMEM((K, D), dt),
            pltpu.VMEM((K, D), dt),
            pltpu.VMEM_SHARED((NP, D), dt),
            pltpu.SemaphoreType.DMA,
            pltpu.SemaphoreType.DMA,
            pltpu.SemaphoreType.DMA,
            pltpu.SemaphoreType.DMA,
        ],
        compiler_params=pltpu.CompilerParams(use_tc_tiling_on_sc=False),
    )
    def scat_kernel(src_hbm, dst_hbm, z_hbm, g_hbm, out_hbm,
                    src_v, dst_v, rows0, rows1, acc, gs0, gs1, ss0, ss1):
        cid = lax.axis_index("c")
        sid = lax.axis_index("s")
        wid = cid * NS + sid
        pltpu.sync_copy(z_hbm, acc.at[pl.ds(sid * ZR, ZR)])
        pltpu.sync_copy(src_hbm.at[wid], src_v)
        pltpu.sync_copy(dst_hbm.at[wid], dst_v)
        plsc.subcore_barrier()

        pltpu.async_copy(g_hbm.at[src_v.at[0]], rows0, gs0)
        pltpu.async_copy(g_hbm.at[src_v.at[1]], rows1, gs1)

        def body(p, carry):
            j = 2 * p
            pltpu.make_async_copy(g_hbm.at[src_v.at[j]], rows0, gs0).wait()
            pltpu.async_copy(rows0, acc.at[dst_v.at[j]], ss0, add=True)
            pltpu.make_async_copy(
                g_hbm.at[src_v.at[j + 1]], rows1, gs1).wait()
            pltpu.async_copy(rows1, acc.at[dst_v.at[j + 1]], ss1, add=True)
            pltpu.make_async_copy(rows0, acc.at[dst_v.at[j]], ss0).wait()

            @pl.when(j + 2 < C)
            def _():
                pltpu.async_copy(g_hbm.at[src_v.at[j + 2]], rows0, gs0)

            pltpu.make_async_copy(rows1, acc.at[dst_v.at[j + 1]], ss1).wait()

            @pl.when(j + 3 < C)
            def _():
                pltpu.async_copy(g_hbm.at[src_v.at[j + 3]], rows1, gs1)

            return carry

        lax.fori_loop(0, C // 2, body, 0)
        if C % 2:
            pltpu.make_async_copy(
                g_hbm.at[src_v.at[C - 1]], rows0, gs0).wait()
            pltpu.sync_copy(rows0, acc.at[dst_v.at[C - 1]], add=True)
        plsc.subcore_barrier()
        pltpu.sync_copy(acc.at[pl.ds(sid * ZR, ZR)],
                        out_hbm.at[cid, pl.ds(sid * ZR, ZR)])

    return scat_kernel


def _tc1(x, W, degp, R):
    N, D = x.shape

    def body(x_ref, w_ref, dp_ref, g_ref, gb_ref, dinv_ref):
        d = dp_ref[0] + dp_ref[1] + 1.0
        dinv = lax.rsqrt(d)
        dinv_ref[...] = dinv
        h = jnp.dot(x_ref[...], w_ref[...], preferred_element_type=F32)
        g = h * dinv[:, :1]
        g_ref[...] = g
        gb_ref[...] = g.astype(jnp.bfloat16)

    return pl.pallas_call(
        body,
        grid=(N // R,),
        in_specs=[
            pl.BlockSpec((R, D), lambda i: (i, 0)),
            pl.BlockSpec((D, D), lambda i: (0, 0)),
            pl.BlockSpec((NC, R, 16), lambda i: (0, i, 0)),
        ],
        out_specs=[
            pl.BlockSpec((R, D), lambda i: (i, 0)),
            pl.BlockSpec((R, D), lambda i: (i, 0)),
            pl.BlockSpec((R, 16), lambda i: (i, 0)),
        ],
        out_shape=[
            jax.ShapeDtypeStruct((N, D), F32),
            jax.ShapeDtypeStruct((N, D), jnp.bfloat16),
            jax.ShapeDtypeStruct((N, 16), F32),
        ],
    )(x, W, degp)


def _tc2(agg, g, dinv16, b, W, R):
    N, D = g.shape

    def body(a_ref, g_ref, dinv_ref, b_ref, w_ref, o_ref, ob_ref):
        t = (a_ref[0] + a_ref[1]).astype(F32) + g_ref[...]
        dinv = dinv_ref[...][:, :1]
        h = jnp.maximum(t * dinv + b_ref[...], 0.0)
        o = jnp.dot(h, w_ref[...], preferred_element_type=F32) * dinv
        o_ref[...] = o
        ob_ref[...] = o.astype(jnp.bfloat16)

    return pl.pallas_call(
        body,
        grid=(N // R,),
        in_specs=[
            pl.BlockSpec((NC, R, D), lambda i: (0, i, 0)),
            pl.BlockSpec((R, D), lambda i: (i, 0)),
            pl.BlockSpec((R, 16), lambda i: (i, 0)),
            pl.BlockSpec((1, D), lambda i: (0, 0)),
            pl.BlockSpec((D, D), lambda i: (0, 0)),
        ],
        out_specs=[
            pl.BlockSpec((R, D), lambda i: (i, 0)),
            pl.BlockSpec((R, D), lambda i: (i, 0)),
        ],
        out_shape=[
            jax.ShapeDtypeStruct((N, D), F32),
            jax.ShapeDtypeStruct((N, D), jnp.bfloat16),
        ],
    )(agg, g, dinv16, b, W)


def _tc3(agg, g, dinv16, b, R):
    N, D = g.shape

    def body(a_ref, g_ref, dinv_ref, b_ref, o_ref):
        t = (a_ref[0] + a_ref[1]).astype(F32) + g_ref[...]
        dinv = dinv_ref[...][:, :1]
        o_ref[...] = t * dinv + b_ref[...]

    return pl.pallas_call(
        body,
        grid=(N // R,),
        in_specs=[
            pl.BlockSpec((NC, R, D), lambda i: (0, i, 0)),
            pl.BlockSpec((R, D), lambda i: (i, 0)),
            pl.BlockSpec((R, 16), lambda i: (i, 0)),
            pl.BlockSpec((1, D), lambda i: (0, 0)),
        ],
        out_specs=pl.BlockSpec((R, D), lambda i: (i, 0)),
        out_shape=jax.ShapeDtypeStruct((N, D), F32),
    )(agg, g, dinv16, b)


def kernel(x, edge_index, W1, b1, W2, b2):
    N, D = x.shape
    E = edge_index.shape[1]
    CD = E // (NW * KD)
    assert CD * NW * KD == E and N % NS == 0
    ZR = -(-N // NS)
    ZR += (-ZR) % 8
    NP = ZR * NS
    CS = -(-E // (NW * K))
    EP = CS * NW * K

    ei = edge_index.astype(jnp.int32)
    dst3 = ei[1].reshape(NW, CD, KD)
    pad = N + jnp.arange(EP - E, dtype=jnp.int32) % jnp.int32(NP - N)
    src3 = jnp.concatenate([ei[0], jnp.zeros((EP - E,), jnp.int32)])
    src3 = src3.reshape(NW, CS, K)
    dsc3 = jnp.concatenate([ei[1], pad]).reshape(NW, CS, K)
    ones16 = jnp.ones((KD, 16), F32)
    z16 = jnp.zeros((ZR, 16), F32)
    zD = jnp.zeros((ZR, D), jnp.bfloat16)

    R = 1000
    degp = _deg_call(CD, NP, ZR)(dst3, ones16, z16)
    g1, g1b, dinv16 = _tc1(x, W1, degp, R)
    scat = _scatter_call(D, CS, NP, ZR, jnp.bfloat16)
    agg1 = scat(src3, dsc3, zD, g1b)
    g2, g2b = _tc2(agg1, g1, dinv16, b1.reshape(1, -1), W2, R)
    agg2 = scat(src3, dsc3, zD, g2b)
    return _tc3(agg2, g2, dinv16, b2.reshape(1, -1), R)

# --- scband reference (transcript-rebuilt; emitter-appended) ---
"""Pipeline reference for scband-gcnencoder-2585570312518 (READ-ONLY COPY).

The authoritative reference and input builder live on the scoring server;
editing this copy changes nothing except your own understanding.
"""

import jax, jax.numpy as jnp
import numpy as np

N_NODES = 10000
D_IN = 128
D_HID = 128
D_OUT = 128
N_EDGES = 320000


def gcn_conv(x, edge_index, W, b):
    n = x.shape[0]
    src = edge_index[0]
    dst = edge_index[1]
    # add self loops (GCNConv default add_self_loops=True)
    loop = jnp.arange(n, dtype=src.dtype)
    src = jnp.concatenate([src, loop])
    dst = jnp.concatenate([dst, loop])
    # symmetric normalization deg^{-1/2} A_hat deg^{-1/2}
    deg = jnp.zeros((n,), dtype=x.dtype).at[dst].add(1.0)
    dinv = jnp.where(deg > 0, jax.lax.rsqrt(deg), 0.0)
    norm = dinv[src] * dinv[dst]
    h = x @ W
    msg = h[src] * norm[:, None]
    out = jnp.zeros((n, W.shape[1]), dtype=x.dtype).at[dst].add(msg)
    return out + b


def setup_inputs(seed: int = 0) -> dict:
    key = jax.random.key(seed)
    k_x, k_e, k_w1, k_w2 = jax.random.split(key, 4)
    x = jax.random.normal(k_x, (N_NODES, D_IN), dtype=jnp.float32)
    edge_index = jax.random.randint(k_e, (2, N_EDGES), 0, N_NODES, dtype=jnp.int64)
    # Glorot init as in PyG GCNConv
    s1 = (6.0 / (D_IN + D_HID)) ** 0.5
    W1 = jax.random.uniform(k_w1, (D_IN, D_HID), dtype=jnp.float32, minval=-s1, maxval=s1)
    b1 = jnp.zeros((D_HID,), dtype=jnp.float32)
    s2 = (6.0 / (D_HID + D_OUT)) ** 0.5
    W2 = jax.random.uniform(k_w2, (D_HID, D_OUT), dtype=jnp.float32, minval=-s2, maxval=s2)
    b2 = jnp.zeros((D_OUT,), dtype=jnp.float32)
    return {"x": x, "edge_index": edge_index, "W1": W1, "b1": b1, "W2": W2, "b2": b2}


def reference(x, edge_index, W1, b1, W2, b2):
    h = gcn_conv(x, edge_index, W1, b1)
    h = jax.nn.relu(h)
    # dropout is identity in eval mode
    out = gcn_conv(h, edge_index, W2, b2)
    return out

if __name__ == "__main__":
    import jax
    _d = setup_inputs()
    print(jax.jit(kernel)(*tuple(_d.values())))

</pallas_src>

<mosaic_0001>
#map = affine_map<(d0, d1) -> (0, 0, 0)>
#map1 = affine_map<(d0, d1) -> (0, 0)>
module attributes {stable_mosaic.version = 14 : i64} {
  func.func @deg_kernel(%arg0: i32, %arg1: i32, %arg2: memref<32x250x40xi32, #tpu.memory_space<hbm>>, %arg3: memref<40x16xf32, #tpu.memory_space<hbm>>, %arg4: memref<632x16xf32, #tpu.memory_space<hbm>>, %arg5: memref<2x10112x16xf32, #tpu.memory_space<hbm>>, %arg6: memref<250x40xi32, #tpu.memory_space<vmem>>, %arg7: memref<40x16xf32, #tpu.memory_space<vmem>>, %arg8: memref<10112x16xf32, #tpu.memory_space<vmem_shared>>, %arg9: memref<!tpu.dma_semaphore, #tpu.memory_space<semaphore_mem>>) attributes {dimension_semantics = [#tpu.dimension_semantics<core_parallel>, #tpu.dimension_semantics<subcore_parallel>], iteration_bounds = array<i64: 2, 16>, scalar_prefetch = 0 : i64, scratch_operands = 4 : i64, tpu.core_type = #tpu.core_type<sc_vector_subcore>, window_params = [{transform_indices = #map}, {transform_indices = #map1}, {transform_indices = #map1}, {transform_indices = #map}]} {
    %mul3A = arith.constant 16 : i32
    %mul3A_0 = arith.muli %arg0, %mul3A : i32
    %add3A = arith.addi %mul3A_0, %arg1 : i32
    %mul3A_1 = arith.constant 632 : i32
    %mul3A_2 = arith.muli %arg1, %mul3A_1 : i32
    "tpu.region"() ({
      %run_scoped3A = tpu.sem_alloc : memref<!tpu.dma_semaphore, #tpu.memory_space<semaphore_mem>>
      %dma_start3A = arith.constant 0 : i32
      %dma_start3A_13 = tpu.memref_slice %arg8[%mul3A_2, %dma_start3A] : memref<10112x16xf32, #tpu.memory_space<vmem_shared>> -> memref<632x16xf32, #tpu.memory_space<vmem_shared>>
      tpu.enqueue_dma source(%arg4 : memref<632x16xf32, #tpu.memory_space<hbm>>) target(%dma_start3A_13 : memref<632x16xf32, #tpu.memory_space<vmem_shared>>) target_semaphore(%run_scoped3A : memref<!tpu.dma_semaphore, #tpu.memory_space<semaphore_mem>>)
      %dma_wait3A = arith.constant 0 : i32
      %dma_wait3A_14 = tpu.memref_slice %arg8[%mul3A_2, %dma_wait3A] : memref<10112x16xf32, #tpu.memory_space<vmem_shared>> -> memref<632x16xf32, #tpu.memory_space<vmem_shared>>
      tpu.wait_dma2 semaphore(%run_scoped3A : memref<!tpu.dma_semaphore, #tpu.memory_space<semaphore_mem>>) src(%arg4 : memref<632x16xf32, #tpu.memory_space<hbm>>) dst(%dma_wait3A_14 : memref<632x16xf32, #tpu.memory_space<vmem_shared>>)
      tpu.yield
    }) : () -> ()
    "tpu.region"() ({
      %run_scoped3A = tpu.sem_alloc : memref<!tpu.dma_semaphore, #tpu.memory_space<semaphore_mem>>
      %dma_start3A = arith.constant 0 : i32
      %dma_start3A_13 = arith.constant 0 : i32
      %dma_start3A_14 = tpu.memref_slice %arg2[%add3A, %dma_start3A, %dma_start3A_13] : memref<32x250x40xi32, #tpu.memory_space<hbm>> -> memref<1x250x40xi32, #tpu.memory_space<hbm>>
      %dma_start3A_15 = tpu.memref_squeeze %dma_start3A_14 : memref<1x250x40xi32, #tpu.memory_space<hbm>> -> memref<250x40xi32, #tpu.memory_space<hbm>>
      %dma_start3A_16 = arith.constant 0 : i32
      %dma_start3A_17 = arith.constant 0 : i32
      %dma_start3A_18 = tpu.memref_slice %arg2[%add3A, %dma_start3A_16, %dma_start3A_17] : memref<32x250x40xi32, #tpu.memory_space<hbm>> -> memref<1x250x40xi32, #tpu.memory_space<hbm>>
      %dma_start3A_19 = tpu.memref_squeeze %dma_start3A_18 : memref<1x250x40xi32, #tpu.memory_space<hbm>> -> memref<250x40xi32, #tpu.memory_space<hbm>>
      tpu.enqueue_dma source(%dma_start3A_19 : memref<250x40xi32, #tpu.memory_space<hbm>>) target(%arg6 : memref<250x40xi32, #tpu.memory_space<vmem>>) target_semaphore(%run_scoped3A : memref<!tpu.dma_semaphore, #tpu.memory_space<semaphore_mem>>)
      %dma_wait3A = arith.constant 0 : i32
      %dma_wait3A_20 = arith.constant 0 : i32
      %dma_wait3A_21 = tpu.memref_slice %arg2[%add3A, %dma_wait3A, %dma_wait3A_20] : memref<32x250x40xi32, #tpu.memory_space<hbm>> -> memref<1x250x40xi32, #tpu.memory_space<hbm>>
      %dma_wait3A_22 = tpu.memref_squeeze %dma_wait3A_21 : memref<1x250x40xi32, #tpu.memory_space<hbm>> -> memref<250x40xi32, #tpu.memory_space<hbm>>
      %dma_wait3A_23 = arith.constant 0 : i32
      %dma_wait3A_24 = arith.constant 0 : i32
      %dma_wait3A_25 = tpu.memref_slice %arg2[%add3A, %dma_wait3A_23, %dma_wait3A_24] : memref<32x250x40xi32, #tpu.memory_space<hbm>> -> memref<1x250x40xi32, #tpu.memory_space<hbm>>
      %dma_wait3A_26 = tpu.memref_squeeze %dma_wait3A_25 : memref<1x250x40xi32, #tpu.memory_space<hbm>> -> memref<250x40xi32, #tpu.memory_space<hbm>>
      tpu.wait_dma2 semaphore(%run_scoped3A : memref<!tpu.dma_semaphore, #tpu.memory_space<semaphore_mem>>) src(%dma_wait3A_26 : memref<250x40xi32, #tpu.memory_space<hbm>>) dst(%arg6 : memref<250x40xi32, #tpu.memory_space<vmem>>)
      tpu.yield
    }) : () -> ()
    "tpu.region"() ({
      %run_scoped3A = tpu.sem_alloc : memref<!tpu.dma_semaphore, #tpu.memory_space<semaphore_mem>>
      tpu.enqueue_dma source(%arg3 : memref<40x16xf32, #tpu.memory_space<hbm>>) target(%arg7 : memref<40x16xf32, #tpu.memory_space<vmem>>) target_semaphore(%run_scoped3A : memref<!tpu.dma_semaphore, #tpu.memory_space<semaphore_mem>>)
      tpu.wait_dma2 semaphore(%run_scoped3A : memref<!tpu.dma_semaphore, #tpu.memory_space<semaphore_mem>>) src(%arg3 : memref<40x16xf32, #tpu.memory_space<hbm>>) dst(%arg7 : memref<40x16xf32, #tpu.memory_space<vmem>>)
      tpu.yield
    }) : () -> ()
    %barrier3A = arith.constant 0 : index
    tpu.barrier barrier_id(%barrier3A)
    %scan3A = arith.constant 0 : i32
    %scan3A_3 = arith.constant 0 : i32
    %scan3A_4 = arith.constant 250 : i32
    %scan3A_5 = arith.addi %scan3A_3, %scan3A_4 : i32
    %scan3A_6 = arith.constant 1 : i32
    scf.for %scan3A_13 = %scan3A_3 to %scan3A_5 step %scan3A_6  : i32 {
      "tpu.region"() ({
        %run_scoped3A = tpu.sem_alloc : memref<!tpu.dma_semaphore, #tpu.memory_space<semaphore_mem>>
        %dma_start3A = arith.constant 0 : i32
        %dma_start3A_14 = tpu.memref_slice %arg6[%scan3A_13, %dma_start3A] : memref<250x40xi32, #tpu.memory_space<vmem>> -> memref<1x40xi32, #tpu.memory_space<vmem>>
        %dma_start3A_15 = tpu.memref_squeeze %dma_start3A_14 : memref<1x40xi32, #tpu.memory_space<vmem>> -> memref<40xi32, #tpu.memory_space<vmem>>
        %dma_start3A_16 = arith.constant 0 : i32
        %dma_start3A_17 = arith.constant 0 : i32
        %dma_start3A_18 = tpu.memref_slice %arg8[%dma_start3A_16, %dma_start3A_17] : memref<10112x16xf32, #tpu.memory_space<vmem_shared>> -> memref<10112x16xf32, #tpu.memory_space<vmem_shared>>
        tpu.enqueue_indirect_dma source(%arg7 : memref<40x16xf32, #tpu.memory_space<vmem>>) target(%dma_start3A_18 : memref<10112x16xf32, #tpu.memory_space<vmem_shared>>) offsets(%dma_start3A_15 : memref<40xi32, #tpu.memory_space<vmem>>) semaphore(%run_scoped3A : memref<!tpu.dma_semaphore, #tpu.memory_space<semaphore_mem>>) {add = true}
        %dma_wait3A = arith.constant 0 : i32
        %dma_wait3A_19 = tpu.memref_slice %arg6[%scan3A_13, %dma_wait3A] : memref<250x40xi32, #tpu.memory_space<vmem>> -> memref<1x40xi32, #tpu.memory_space<vmem>>
        %dma_wait3A_20 = tpu.memref_squeeze %dma_wait3A_19 : memref<1x40xi32, #tpu.memory_space<vmem>> -> memref<40xi32, #tpu.memory_space<vmem>>
        %dma_wait3A_21 = arith.constant 0 : i32
        %dma_wait3A_22 = arith.constant 0 : i32
        %dma_wait3A_23 = tpu.memref_slice %arg8[%dma_wait3A_21, %dma_wait3A_22] : memref<10112x16xf32, #tpu.memory_space<vmem_shared>> -> memref<10112x16xf32, #tpu.memory_space<vmem_shared>>
        tpu.wait_indirect_dma semaphore(%run_scoped3A : memref<!tpu.dma_semaphore, #tpu.memory_space<semaphore_mem>>) src(%arg7 : memref<40x16xf32, #tpu.memory_space<vmem>>) dst(%dma_wait3A_23 : memref<10112x16xf32, #tpu.memory_space<vmem_shared>>)
        tpu.yield
      }) : () -> ()
    }
    %scan3A_7 = arith.constant 250 : i32
    %barrier3A_8 = arith.constant 0 : index
    tpu.barrier barrier_id(%barrier3A_8)
    %mul3A_9 = arith.constant 632 : i32
    %mul3A_10 = arith.muli %arg1, %mul3A_9 : i32
    %mul3A_11 = arith.constant 632 : i32
    %mul3A_12 = arith.muli %arg1, %mul3A_11 : i32
    "tpu.region"() ({
      %run_scoped3A = tpu.sem_alloc : memref<!tpu.dma_semaphore, #tpu.memory_space<semaphore_mem>>
      %dma_start3A = arith.constant 0 : i32
      %dma_start3A_13 = tpu.memref_slice %arg5[%arg0, %mul3A_12, %dma_start3A] : memref<2x10112x16xf32, #tpu.memory_space<hbm>> -> memref<1x632x16xf32, #tpu.memory_space<hbm>>
      %dma_start3A_14 = tpu.memref_squeeze %dma_start3A_13 : memref<1x632x16xf32, #tpu.memory_space<hbm>> -> memref<632x16xf32, #tpu.memory_space<hbm>>
      %dma_start3A_15 = arith.constant 0 : i32
      %dma_start3A_16 = tpu.memref_slice %arg8[%mul3A_10, %dma_start3A_15] : memref<10112x16xf32, #tpu.memory_space<vmem_shared>> -> memref<632x16xf32, #tpu.memory_space<vmem_shared>>
      tpu.enqueue_dma source(%dma_start3A_16 : memref<632x16xf32, #tpu.memory_space<vmem_shared>>) target(%dma_start3A_14 : memref<632x16xf32, #tpu.memory_space<hbm>>) target_semaphore(%run_scoped3A : memref<!tpu.dma_semaphore, #tpu.memory_space<semaphore_mem>>)
      %dma_wait3A = arith.constant 0 : i32
      %dma_wait3A_17 = tpu.memref_slice %arg5[%arg0, %mul3A_12, %dma_wait3A] : memref<2x10112x16xf32, #tpu.memory_space<hbm>> -> memref<1x632x16xf32, #tpu.memory_space<hbm>>
      %dma_wait3A_18 = tpu.memref_squeeze %dma_wait3A_17 : memref<1x632x16xf32, #tpu.memory_space<hbm>> -> memref<632x16xf32, #tpu.memory_space<hbm>>
      %dma_wait3A_19 = arith.constant 0 : i32
      %dma_wait3A_20 = tpu.memref_slice %arg8[%mul3A_10, %dma_wait3A_19] : memref<10112x16xf32, #tpu.memory_space<vmem_shared>> -> memref<632x16xf32, #tpu.memory_space<vmem_shared>>
      tpu.wait_dma2 semaphore(%run_scoped3A : memref<!tpu.dma_semaphore, #tpu.memory_space<semaphore_mem>>) src(%dma_wait3A_20 : memref<632x16xf32, #tpu.memory_space<vmem_shared>>) dst(%dma_wait3A_18 : memref<632x16xf32, #tpu.memory_space<hbm>>)
      tpu.yield
    }) : () -> ()
    return
  }
}

#map = affine_map<(d0, d1) -> (0, 0, 0)>
#map1 = affine_map<(d0, d1) -> (0, 0)>
module attributes {stable_mosaic.version = 14 : i64} {
  func.func @scat_kernel(%arg0: i32, %arg1: i32, %arg2: memref<32x125x80xi32, #tpu.memory_space<hbm>>, %arg3: memref<32x125x80xi32, #tpu.memory_space<hbm>>, %arg4: memref<632x128xbf16, #tpu.memory_space<hbm>>, %arg5: memref<10000x128xbf16, #tpu.memory_space<hbm>>, %arg6: memref<2x10112x128xbf16, #tpu.memory_space<hbm>>, %arg7: memref<125x80xi32, #tpu.memory_space<vmem>>, %arg8: memref<125x80xi32, #tpu.memory_space<vmem>>, %arg9: memref<80x128xbf16, #tpu.memory_space<vmem>>, %arg10: memref<80x128xbf16, #tpu.memory_space<vmem>>, %arg11: memref<10112x128xbf16, #tpu.memory_space<vmem_shared>>, %arg12: memref<!tpu.dma_semaphore, #tpu.memory_space<semaphore_mem>>, %arg13: memref<!tpu.dma_semaphore, #tpu.memory_space<semaphore_mem>>, %arg14: memref<!tpu.dma_semaphore, #tpu.memory_space<semaphore_mem>>, %arg15: memref<!tpu.dma_semaphore, #tpu.memory_space<semaphore_mem>>) attributes {dimension_semantics = [#tpu.dimension_semantics<core_parallel>, #tpu.dimension_semantics<subcore_parallel>], iteration_bounds = array<i64: 2, 16>, scalar_prefetch = 0 : i64, scratch_operands = 9 : i64, tpu.core_type = #tpu.core_type<sc_vector_subcore>, window_params = [{transform_indices = #map}, {transform_indices = #map}, {transform_indices = #map1}, {transform_indices = #map1}, {transform_indices = #map}]} {
    %mul3A = arith.constant 16 : i32
    %mul3A_0 = arith.muli %arg0, %mul3A : i32
    %add3A = arith.addi %mul3A_0, %arg1 : i32
    %mul3A_1 = arith.constant 632 : i32
    %mul3A_2 = arith.muli %arg1, %mul3A_1 : i32
    "tpu.region"() ({
      %run_scoped3A_32 = tpu.sem_alloc : memref<!tpu.dma_semaphore, #tpu.memory_space<semaphore_mem>>
      %dma_start3A_33 = arith.constant 0 : i32
      %dma_start3A_34 = tpu.memref_slice %arg11[%mul3A_2, %dma_start3A_33] : memref<10112x128xbf16, #tpu.memory_space<vmem_shared>> -> memref<632x128xbf16, #tpu.memory_space<vmem_shared>>
      tpu.enqueue_dma source(%arg4 : memref<632x128xbf16, #tpu.memory_space<hbm>>) target(%dma_start3A_34 : memref<632x128xbf16, #tpu.memory_space<vmem_shared>>) target_semaphore(%run_scoped3A_32 : memref<!tpu.dma_semaphore, #tpu.memory_space<semaphore_mem>>)
      %dma_wait3A_35 = arith.constant 0 : i32
      %dma_wait3A_36 = tpu.memref_slice %arg11[%mul3A_2, %dma_wait3A_35] : memref<10112x128xbf16, #tpu.memory_space<vmem_shared>> -> memref<632x128xbf16, #tpu.memory_space<vmem_shared>>
      tpu.wait_dma2 semaphore(%run_scoped3A_32 : memref<!tpu.dma_semaphore, #tpu.memory_space<semaphore_mem>>) src(%arg4 : memref<632x128xbf16, #tpu.memory_space<hbm>>) dst(%dma_wait3A_36 : memref<632x128xbf16, #tpu.memory_space<vmem_shared>>)
      tpu.yield
    }) : () -> ()
    "tpu.region"() ({
      %run_scoped3A_32 = tpu.sem_alloc : memref<!tpu.dma_semaphore, #tpu.memory_space<semaphore_mem>>
      %dma_start3A_33 = arith.constant 0 : i32
      %dma_start3A_34 = arith.constant 0 : i32
      %dma_start3A_35 = tpu.memref_slice %arg2[%add3A, %dma_start3A_33, %dma_start3A_34] : memref<32x125x80xi32, #tpu.memory_space<hbm>> -> memref<1x125x80xi32, #tpu.memory_space<hbm>>
      %dma_start3A_36 = tpu.memref_squeeze %dma_start3A_35 : memref<1x125x80xi32, #tpu.memory_space<hbm>> -> memref<125x80xi32, #tpu.memory_space<hbm>>
      %dma_start3A_37 = arith.constant 0 : i32
      %dma_start3A_38 = arith.constant 0 : i32
      %dma_start3A_39 = tpu.memref_slice %arg2[%add3A, %dma_start3A_37, %dma_start3A_38] : memref<32x125x80xi32, #tpu.memory_space<hbm>> -> memref<1x125x80xi32, #tpu.memory_space<hbm>>
      %dma_start3A_40 = tpu.memref_squeeze %dma_start3A_39 : memref<1x125x80xi32, #tpu.memory_space<hbm>> -> memref<125x80xi32, #tpu.memory_space<hbm>>
      tpu.enqueue_dma source(%dma_start3A_40 : memref<125x80xi32, #tpu.memory_space<hbm>>) target(%arg7 : memref<125x80xi32, #tpu.memory_space<vmem>>) target_semaphore(%run_scoped3A_32 : memref<!tpu.dma_semaphore, #tpu.memory_space<semaphore_mem>>)
      %dma_wait3A_41 = arith.constant 0 : i32
      %dma_wait3A_42 = arith.constant 0 : i32
      %dma_wait3A_43 = tpu.memref_slice %arg2[%add3A, %dma_wait3A_41, %dma_wait3A_42] : memref<32x125x80xi32, #tpu.memory_space<hbm>> -> memref<1x125x80xi32, #tpu.memory_space<hbm>>
      %dma_wait3A_44 = tpu.memref_squeeze %dma_wait3A_43 : memref<1x125x80xi32, #tpu.memory_space<hbm>> -> memref<125x80xi32, #tpu.memory_space<hbm>>
      %dma_wait3A_45 = arith.constant 0 : i32
      %dma_wait3A_46 = arith.constant 0 : i32
      %dma_wait3A_47 = tpu.memref_slice %arg2[%add3A, %dma_wait3A_45, %dma_wait3A_46] : memref<32x125x80xi32, #tpu.memory_space<hbm>> -> memref<1x125x80xi32, #tpu.memory_space<hbm>>
      %dma_wait3A_48 = tpu.memref_squeeze %dma_wait3A_47 : memref<1x125x80xi32, #tpu.memory_space<hbm>> -> memref<125x80xi32, #tpu.memory_space<hbm>>
      tpu.wait_dma2 semaphore(%run_scoped3A_32 : memref<!tpu.dma_semaphore, #tpu.memory_space<semaphore_mem>>) src(%dma_wait3A_48 : memref<125x80xi32, #tpu.memory_space<hbm>>) dst(%arg7 : memref<125x80xi32, #tpu.memory_space<vmem>>)
      tpu.yield
    }) : () -> ()
    "tpu.region"() ({
      %run_scoped3A_32 = tpu.sem_alloc : memref<!tpu.dma_semaphore, #tpu.memory_space<semaphore_mem>>
      %dma_start3A_33 = arith.constant 0 : i32
      %dma_start3A_34 = arith.constant 0 : i32
      %dma_start3A_35 = tpu.memref_slice %arg3[%add3A, %dma_start3A_33, %dma_start3A_34] : memref<32x125x80xi32, #tpu.memory_space<hbm>> -> memref<1x125x80xi32, #tpu.memory_space<hbm>>
      %dma_start3A_36 = tpu.memref_squeeze %dma_start3A_35 : memref<1x125x80xi32, #tpu.memory_space<hbm>> -> memref<125x80xi32, #tpu.memory_space<hbm>>
      %dma_start3A_37 = arith.constant 0 : i32
      %dma_start3A_38 = arith.constant 0 : i32
      %dma_start3A_39 = tpu.memref_slice %arg3[%add3A, %dma_start3A_37, %dma_start3A_38] : memref<32x125x80xi32, #tpu.memory_space<hbm>> -> memref<1x125x80xi32, #tpu.memory_space<hbm>>
      %dma_start3A_40 = tpu.memref_squeeze %dma_start3A_39 : memref<1x125x80xi32, #tpu.memory_space<hbm>> -> memref<125x80xi32, #tpu.memory_space<hbm>>
      tpu.enqueue_dma source(%dma_start3A_40 : memref<125x80xi32, #tpu.memory_space<hbm>>) target(%arg8 : memref<125x80xi32, #tpu.memory_space<vmem>>) target_semaphore(%run_scoped3A_32 : memref<!tpu.dma_semaphore, #tpu.memory_space<semaphore_mem>>)
      %dma_wait3A_41 = arith.constant 0 : i32
      %dma_wait3A_42 = arith.constant 0 : i32
      %dma_wait3A_43 = tpu.memref_slice %arg3[%add3A, %dma_wait3A_41, %dma_wait3A_42] : memref<32x125x80xi32, #tpu.memory_space<hbm>> -> memref<1x125x80xi32, #tpu.memory_space<hbm>>
      %dma_wait3A_44 = tpu.memref_squeeze %dma_wait3A_43 : memref<1x125x80xi32, #tpu.memory_space<hbm>> -> memref<125x80xi32, #tpu.memory_space<hbm>>
      %dma_wait3A_45 = arith.constant 0 : i32
      %dma_wait3A_46 = arith.constant 0 : i32
      %dma_wait3A_47 = tpu.memref_slice %arg3[%add3A, %dma_wait3A_45, %dma_wait3A_46] : memref<32x125x80xi32, #tpu.memory_space<hbm>> -> memref<1x125x80xi32, #tpu.memory_space<hbm>>
      %dma_wait3A_48 = tpu.memref_squeeze %dma_wait3A_47 : memref<1x125x80xi32, #tpu.memory_space<hbm>> -> memref<125x80xi32, #tpu.memory_space<hbm>>
      tpu.wait_dma2 semaphore(%run_scoped3A_32 : memref<!tpu.dma_semaphore, #tpu.memory_space<semaphore_mem>>) src(%dma_wait3A_48 : memref<125x80xi32, #tpu.memory_space<hbm>>) dst(%arg8 : memref<125x80xi32, #tpu.memory_space<vmem>>)
      tpu.yield
    }) : () -> ()
    %barrier3A = arith.constant 0 : index
    tpu.barrier barrier_id(%barrier3A)
    %dma_start3A = arith.constant 0 : i32
    %dma_start3A_3 = arith.constant 0 : i32
    %dma_start3A_4 = tpu.memref_slice %arg7[%dma_start3A, %dma_start3A_3] : memref<125x80xi32, #tpu.memory_space<vmem>> -> memref<1x80xi32, #tpu.memory_space<vmem>>
    %dma_start3A_5 = tpu.memref_squeeze %dma_start3A_4 : memref<1x80xi32, #tpu.memory_space<vmem>> -> memref<80xi32, #tpu.memory_space<vmem>>
    %dma_start3A_6 = arith.constant 0 : i32
    %dma_start3A_7 = arith.constant 0 : i32
    %dma_start3A_8 = tpu.memref_slice %arg5[%dma_start3A_6, %dma_start3A_7] : memref<10000x128xbf16, #tpu.memory_space<hbm>> -> memref<10000x128xbf16, #tpu.memory_space<hbm>>
    tpu.enqueue_indirect_dma source(%dma_start3A_8 : memref<10000x128xbf16, #tpu.memory_space<hbm>>) target(%arg9 : memref<80x128xbf16, #tpu.memory_space<vmem>>) offsets(%dma_start3A_5 : memref<80xi32, #tpu.memory_space<vmem>>) semaphore(%arg12 : memref<!tpu.dma_semaphore, #tpu.memory_space<semaphore_mem>>)
    %dma_start3A_9 = arith.constant 1 : i32
    %dma_start3A_10 = arith.constant 0 : i32
    %dma_start3A_11 = tpu.memref_slice %arg7[%dma_start3A_9, %dma_start3A_10] : memref<125x80xi32, #tpu.memory_space<vmem>> -> memref<1x80xi32, #tpu.memory_space<vmem>>
    %dma_start3A_12 = tpu.memref_squeeze %dma_start3A_11 : memref<1x80xi32, #tpu.memory_space<vmem>> -> memref<80xi32, #tpu.memory_space<vmem>>
    %dma_start3A_13 = arith.constant 0 : i32
    %dma_start3A_14 = arith.constant 0 : i32
    %dma_start3A_15 = tpu.memref_slice %arg5[%dma_start3A_13, %dma_start3A_14] : memref<10000x128xbf16, #tpu.memory_space<hbm>> -> memref<10000x128xbf16, #tpu.memory_space<hbm>>
    tpu.enqueue_indirect_dma source(%dma_start3A_15 : memref<10000x128xbf16, #tpu.memory_space<hbm>>) target(%arg10 : memref<80x128xbf16, #tpu.memory_space<vmem>>) offsets(%dma_start3A_12 : memref<80xi32, #tpu.memory_space<vmem>>) semaphore(%arg13 : memref<!tpu.dma_semaphore, #tpu.memory_space<semaphore_mem>>)
    %scan3A = arith.constant 0 : i32
    %scan3A_16 = arith.constant 0 : i32
    %scan3A_17 = arith.constant 62 : i32
    %scan3A_18 = arith.addi %scan3A_16, %scan3A_17 : i32
    %scan3A_19 = arith.constant 1 : i32
    scf.for %scan3A_32 = %scan3A_16 to %scan3A_18 step %scan3A_19  : i32 {
      %mul3A_33 = arith.constant 2 : i32
      %mul3A_34 = arith.muli %mul3A_33, %scan3A_32 : i32
      %dma_wait3A_35 = arith.constant 0 : i32
      %dma_wait3A_36 = tpu.memref_slice %arg7[%mul3A_34, %dma_wait3A_35] : memref<125x80xi32, #tpu.memory_space<vmem>> -> memref<1x80xi32, #tpu.memory_space<vmem>>
      %dma_wait3A_37 = tpu.memref_squeeze %dma_wait3A_36 : memref<1x80xi32, #tpu.memory_space<vmem>> -> memref<80xi32, #tpu.memory_space<vmem>>
      %dma_wait3A_38 = arith.constant 0 : i32
      %dma_wait3A_39 = arith.constant 0 : i32
      %dma_wait3A_40 = tpu.memref_slice %arg5[%dma_wait3A_38, %dma_wait3A_39] : memref<10000x128xbf16, #tpu.memory_space<hbm>> -> memref<10000x128xbf16, #tpu.memory_space<hbm>>
      tpu.wait_indirect_dma semaphore(%arg12 : memref<!tpu.dma_semaphore, #tpu.memory_space<semaphore_mem>>) src(%dma_wait3A_40 : memref<10000x128xbf16, #tpu.memory_space<hbm>>) dst(%arg9 : memref<80x128xbf16, #tpu.memory_space<vmem>>)
      %dma_start3A_41 = arith.constant 0 : i32
      %dma_start3A_42 = tpu.memref_slice %arg8[%mul3A_34, %dma_start3A_41] : memref<125x80xi32, #tpu.memory_space<vmem>> -> memref<1x80xi32, #tpu.memory_space<vmem>>
      %dma_start3A_43 = tpu.memref_squeeze %dma_start3A_42 : memref<1x80xi32, #tpu.memory_space<vmem>> -> memref<80xi32, #tpu.memory_space<vmem>>
      %dma_start3A_44 = arith.constant 0 : i32
      %dma_start3A_45 = arith.constant 0 : i32
      %dma_start3A_46 = tpu.memref_slice %arg11[%dma_start3A_44, %dma_start3A_45] : memref<10112x128xbf16, #tpu.memory_space<vmem_shared>> -> memref<10112x128xbf16, #tpu.memory_space<vmem_shared>>
      tpu.enqueue_indirect_dma source(%arg9 : memref<80x128xbf16, #tpu.memory_space<vmem>>) target(%dma_start3A_46 : memref<10112x128xbf16, #tpu.memory_space<vmem_shared>>) offsets(%dma_start3A_43 : memref<80xi32, #tpu.memory_space<vmem>>) semaphore(%arg14 : memref<!tpu.dma_semaphore, #tpu.memory_space<semaphore_mem>>) {add = true}
      %add3A_47 = arith.constant 1 : i32
      %add3A_48 = arith.addi %mul3A_34, %add3A_47 : i32
      %dma_wait3A_49 = arith.constant 0 : i32
      %dma_wait3A_50 = tpu.memref_slice %arg7[%add3A_48, %dma_wait3A_49] : memref<125x80xi32, #tpu.memory_space<vmem>> -> memref<1x80xi32, #tpu.memory_space<vmem>>
      %dma_wait3A_51 = tpu.memref_squeeze %dma_wait3A_50 : memref<1x80xi32, #tpu.memory_space<vmem>> -> memref<80xi32, #tpu.memory_space<vmem>>
      %dma_wait3A_52 = arith.constant 0 : i32
      %dma_wait3A_53 = arith.constant 0 : i32
      %dma_wait3A_54 = tpu.memref_slice %arg5[%dma_wait3A_52, %dma_wait3A_53] : memref<10000x128xbf16, #tpu.memory_space<hbm>> -> memref<10000x128xbf16, #tpu.memory_space<hbm>>
      tpu.wait_indirect_dma semaphore(%arg13 : memref<!tpu.dma_semaphore, #tpu.memory_space<semaphore_mem>>) src(%dma_wait3A_54 : memref<10000x128xbf16, #tpu.memory_space<hbm>>) dst(%arg10 : memref<80x128xbf16, #tpu.memory_space<vmem>>)
      %add3A_55 = arith.constant 1 : i32
      %add3A_56 = arith.addi %mul3A_34, %add3A_55 : i32
      %dma_start3A_57 = arith.constant 0 : i32
      %dma_start3A_58 = tpu.memref_slice %arg8[%add3A_56, %dma_start3A_57] : memref<125x80xi32, #tpu.memory_space<vmem>> -> memref<1x80xi32, #tpu.memory_space<vmem>>
      %dma_start3A_59 = tpu.memref_squeeze %dma_start3A_58 : memref<1x80xi32, #tpu.memory_space<vmem>> -> memref<80xi32, #tpu.memory_space<vmem>>
      %dma_start3A_60 = arith.constant 0 : i32
      %dma_start3A_61 = arith.constant 0 : i32
      %dma_start3A_62 = tpu.memref_slice %arg11[%dma_start3A_60, %dma_start3A_61] : memref<10112x128xbf16, #tpu.memory_space<vmem_shared>> -> memref<10112x128xbf16, #tpu.memory_space<vmem_shared>>
      tpu.enqueue_indirect_dma source(%arg10 : memref<80x128xbf16, #tpu.memory_space<vmem>>) target(%dma_start3A_62 : memref<10112x128xbf16, #tpu.memory_space<vmem_shared>>) offsets(%dma_start3A_59 : memref<80xi32, #tpu.memory_space<vmem>>) semaphore(%arg15 : memref<!tpu.dma_semaphore, #tpu.memory_space<semaphore_mem>>) {add = true}
      %dma_wait3A_63 = arith.constant 0 : i32
      %dma_wait3A_64 = tpu.memref_slice %arg8[%mul3A_34, %dma_wait3A_63] : memref<125x80xi32, #tpu.memory_space<vmem>> -> memref<1x80xi32, #tpu.memory_space<vmem>>
      %dma_wait3A_65 = tpu.memref_squeeze %dma_wait3A_64 : memref<1x80xi32, #tpu.memory_space<vmem>> -> memref<80xi32, #tpu.memory_space<vmem>>
      %dma_wait3A_66 = arith.constant 0 : i32
      %dma_wait3A_67 = arith.constant 0 : i32
      %dma_wait3A_68 = tpu.memref_slice %arg11[%dma_wait3A_66, %dma_wait3A_67] : memref<10112x128xbf16, #tpu.memory_space<vmem_shared>> -> memref<10112x128xbf16, #tpu.memory_space<vmem_shared>>
      tpu.wait_indirect_dma semaphore(%arg14 : memref<!tpu.dma_semaphore, #tpu.memory_space<semaphore_mem>>) src(%arg9 : memref<80x128xbf16, #tpu.memory_space<vmem>>) dst(%dma_wait3A_68 : memref<10112x128xbf16, #tpu.memory_space<vmem_shared>>)
      %add3A_69 = arith.constant 2 : i32
      %add3A_70 = arith.addi %mul3A_34, %add3A_69 : i32
      %lt3A = arith.constant 125 : i32
      %lt3A_71 = arith.cmpi slt, %add3A_70, %lt3A : i32
      %convert_element_type3A = arith.extui %lt3A_71 : i1 to i32
      %cond3A = arith.constant 0 : i32
      %cond3A_72 = arith.cmpi ne, %convert_element_type3A, %cond3A : i32
      scf.if %cond3A_72 {
        %add3A_88 = arith.constant 2 : i32
        %add3A_89 = arith.addi %mul3A_34, %add3A_88 : i32
        %dma_start3A_90 = arith.constant 0 : i32
        %dma_start3A_91 = tpu.memref_slice %arg7[%add3A_89, %dma_start3A_90] : memref<125x80xi32, #tpu.memory_space<vmem>> -> memref<1x80xi32, #tpu.memory_space<vmem>>
        %dma_start3A_92 = tpu.memref_squeeze %dma_start3A_91 : memref<1x80xi32, #tpu.memory_space<vmem>> -> memref<80xi32, #tpu.memory_space<vmem>>
        %dma_start3A_93 = arith.constant 0 : i32
        %dma_start3A_94 = arith.constant 0 : i32
        %dma_start3A_95 = tpu.memref_slice %arg5[%dma_start3A_93, %dma_start3A_94] : memref<10000x128xbf16, #tpu.memory_space<hbm>> -> memref<10000x128xbf16, #tpu.memory_space<hbm>>
        tpu.enqueue_indirect_dma source(%dma_start3A_95 : memref<10000x128xbf16, #tpu.memory_space<hbm>>) target(%arg9 : memref<80x128xbf16, #tpu.memory_space<vmem>>) offsets(%dma_start3A_92 : memref<80xi32, #tpu.memory_space<vmem>>) semaphore(%arg12 : memref<!tpu.dma_semaphore, #tpu.memory_space<semaphore_mem>>)
      } else {
      }
      %add3A_73 = arith.constant 1 : i32
      %add3A_74 = arith.addi %mul3A_34, %add3A_73 : i32
      %dma_wait3A_75 = arith.constant 0 : i32
      %dma_wait3A_76 = tpu.memref_slice %arg8[%add3A_74, %dma_wait3A_75] : memref<125x80xi32, #tpu.memory_space<vmem>> -> memref<1x80xi32, #tpu.memory_space<vmem>>
      %dma_wait3A_77 = tpu.memref_squeeze %dma_wait3A_76 : memref<1x80xi32, #tpu.memory_space<vmem>> -> memref<80xi32, #tpu.memory_space<vmem>>
      %dma_wait3A_78 = arith.constant 0 : i32
      %dma_wait3A_79 = arith.constant 0 : i32
      %dma_wait3A_80 = tpu.memref_slice %arg11[%dma_wait3A_78, %dma_wait3A_79] : memref<10112x128xbf16, #tpu.memory_space<vmem_shared>> -> memref<10112x128xbf16, #tpu.memory_space<vmem_shared>>
      tpu.wait_indirect_dma semaphore(%arg15 : memref<!tpu.dma_semaphore, #tpu.memory_space<semaphore_mem>>) src(%arg10 : memref<80x128xbf16, #tpu.memory_space<vmem>>) dst(%dma_wait3A_80 : memref<10112x128xbf16, #tpu.memory_space<vmem_shared>>)
      %add3A_81 = arith.constant 3 : i32
      %add3A_82 = arith.addi %mul3A_34, %add3A_81 : i32
      %lt3A_83 = arith.constant 125 : i32
      %lt3A_84 = arith.cmpi slt, %add3A_82, %lt3A_83 : i32
      %convert_element_type3A_85 = arith.extui %lt3A_84 : i1 to i32
      %cond3A_86 = arith.constant 0 : i32
      %cond3A_87 = arith.cmpi ne, %convert_element_type3A_85, %cond3A_86 : i32
      scf.if %cond3A_87 {
        %add3A_88 = arith.constant 3 : i32
        %add3A_89 = arith.addi %mul3A_34, %add3A_88 : i32
        %dma_start3A_90 = arith.constant 0 : i32
        %dma_start3A_91 = tpu.memref_slice %arg7[%add3A_89, %dma_start3A_90] : memref<125x80xi32, #tpu.memory_space<vmem>> -> memref<1x80xi32, #tpu.memory_space<vmem>>
        %dma_start3A_92 = tpu.memref_squeeze %dma_start3A_91 : memref<1x80xi32, #tpu.memory_space<vmem>> -> memref<80xi32, #tpu.memory_space<vmem>>
        %dma_start3A_93 = arith.constant 0 : i32
        %dma_start3A_94 = arith.constant 0 : i32
        %dma_start3A_95 = tpu.memref_slice %arg5[%dma_start3A_93, %dma_start3A_94] : memref<10000x128xbf16, #tpu.memory_space<hbm>> -> memref<10000x128xbf16, #tpu.memory_space<hbm>>
        tpu.enqueue_indirect_dma source(%dma_start3A_95 : memref<10000x128xbf16, #tpu.memory_space<hbm>>) target(%arg10 : memref<80x128xbf16, #tpu.memory_space<vmem>>) offsets(%dma_start3A_92 : memref<80xi32, #tpu.memory_space<vmem>>) semaphore(%arg13 : memref<!tpu.dma_semaphore, #tpu.memory_space<semaphore_mem>>)
      } else {
      }
    }
    %scan3A_20 = arith.constant 62 : i32
    %dma_wait3A = arith.constant 124 : i32
    %dma_wait3A_21 = arith.constant 0 : i32
    %dma_wait3A_22 = tpu.memref_slice %arg7[%dma_wait3A, %dma_wait3A_21] : memref<125x80xi32, #tpu.memory_space<vmem>> -> memref<1x80xi32, #tpu.memory_space<vmem>>
    %dma_wait3A_23 = tpu.memref_squeeze %dma_wait3A_22 : memref<1x80xi32, #tpu.memory_space<vmem>> -> memref<80xi32, #tpu.memory_space<vmem>>
    %dma_wait3A_24 = arith.constant 0 : i32
    %dma_wait3A_25 = arith.constant 0 : i32
    %dma_wait3A_26 = tpu.memref_slice %arg5[%dma_wait3A_24, %dma_wait3A_25] : memref<10000x128xbf16, #tpu.memory_space<hbm>> -> memref<10000x128xbf16, #tpu.memory_space<hbm>>
    tpu.wait_indirect_dma semaphore(%arg12 : memref<!tpu.dma_semaphore, #tpu.memory_space<semaphore_mem>>) src(%dma_wait3A_26 : memref<10000x128xbf16, #tpu.memory_space<hbm>>) dst(%arg9 : memref<80x128xbf16, #tpu.memory_space<vmem>>)
    %run_scoped3A = arith.constant 124 : i32
    "tpu.region"() ({
      %run_scoped3A_32 = tpu.sem_alloc : memref<!tpu.dma_semaphore, #tpu.memory_space<semaphore_mem>>
      %dma_start3A_33 = arith.constant 0 : i32
      %dma_start3A_34 = tpu.memref_slice %arg8[%run_scoped3A, %dma_start3A_33] : memref<125x80xi32, #tpu.memory_space<vmem>> -> memref<1x80xi32, #tpu.memory_space<vmem>>
      %dma_start3A_35 = tpu.memref_squeeze %dma_start3A_34 : memref<1x80xi32, #tpu.memory_space<vmem>> -> memref<80xi32, #tpu.memory_space<vmem>>
      %dma_start3A_36 = arith.constant 0 : i32
      %dma_start3A_37 = arith.constant 0 : i32
      %dma_start3A_38 = tpu.memref_slice %arg11[%dma_start3A_36, %dma_start3A_37] : memref<10112x128xbf16, #tpu.memory_space<vmem_shared>> -> memref<10112x128xbf16, #tpu.memory_space<vmem_shared>>
      tpu.enqueue_indirect_dma source(%arg9 : memref<80x128xbf16, #tpu.memory_space<vmem>>) target(%dma_start3A_38 : memref<10112x128xbf16, #tpu.memory_space<vmem_shared>>) offsets(%dma_start3A_35 : memref<80xi32, #tpu.memory_space<vmem>>) semaphore(%run_scoped3A_32 : memref<!tpu.dma_semaphore, #tpu.memory_space<semaphore_mem>>) {add = true}
      %dma_wait3A_39 = arith.constant 0 : i32
      %dma_wait3A_40 = tpu.memref_slice %arg8[%run_scoped3A, %dma_wait3A_39] : memref<125x80xi32, #tpu.memory_space<vmem>> -> memref<1x80xi32, #tpu.memory_space<vmem>>
      %dma_wait3A_41 = tpu.memref_squeeze %dma_wait3A_40 : memref<1x80xi32, #tpu.memory_space<vmem>> -> memref<80xi32, #tpu.memory_space<vmem>>
      %dma_wait3A_42 = arith.constant 0 : i32
      %dma_wait3A_43 = arith.constant 0 : i32
      %dma_wait3A_44 = tpu.memref_slice %arg11[%dma_wait3A_42, %dma_wait3A_43] : memref<10112x128xbf16, #tpu.memory_space<vmem_shared>> -> memref<10112x128xbf16, #tpu.memory_space<vmem_shared>>
      tpu.wait_indirect_dma semaphore(%run_scoped3A_32 : memref<!tpu.dma_semaphore, #tpu.memory_space<semaphore_mem>>) src(%arg9 : memref<80x128xbf16, #tpu.memory_space<vmem>>) dst(%dma_wait3A_44 : memref<10112x128xbf16, #tpu.memory_space<vmem_shared>>)
      tpu.yield
    }) : () -> ()
    %barrier3A_27 = arith.constant 0 : index
    tpu.barrier barrier_id(%barrier3A_27)
    %mul3A_28 = arith.constant 632 : i32
    %mul3A_29 = arith.muli %arg1, %mul3A_28 : i32
    %mul3A_30 = arith.constant 632 : i32
    %mul3A_31 = arith.muli %arg1, %mul3A_30 : i32
    "tpu.region"() ({
      %run_scoped3A_32 = tpu.sem_alloc : memref<!tpu.dma_semaphore, #tpu.memory_space<semaphore_mem>>
      %dma_start3A_33 = arith.constant 0 : i32
      %dma_start3A_34 = tpu.memref_slice %arg6[%arg0, %mul3A_31, %dma_start3A_33] : memref<2x10112x128xbf16, #tpu.memory_space<hbm>> -> memref<1x632x128xbf16, #tpu.memory_space<hbm>>
      %dma_start3A_35 = tpu.memref_squeeze %dma_start3A_34 : memref<1x632x128xbf16, #tpu.memory_space<hbm>> -> memref<632x128xbf16, #tpu.memory_space<hbm>>
      %dma_start3A_36 = arith.constant 0 : i32
      %dma_start3A_37 = tpu.memref_slice %arg11[%mul3A_29, %dma_start3A_36] : memref<10112x128xbf16, #tpu.memory_space<vmem_shared>> -> memref<632x128xbf16, #tpu.memory_space<vmem_shared>>
      tpu.enqueue_dma source(%dma_start3A_37 : memref<632x128xbf16, #tpu.memory_space<vmem_shared>>) target(%dma_start3A_35 : memref<632x128xbf16, #tpu.memory_space<hbm>>) target_semaphore(%run_scoped3A_32 : memref<!tpu.dma_semaphore, #tpu.memory_space<semaphore_mem>>)
      %dma_wait3A_38 = arith.constant 0 : i32
      %dma_wait3A_39 = tpu.memref_slice %arg6[%arg0, %mul3A_31, %dma_wait3A_38] : memref<2x10112x128xbf16, #tpu.memory_space<hbm>> -> memref<1x632x128xbf16, #tpu.memory_space<hbm>>
      %dma_wait3A_40 = tpu.memref_squeeze %dma_wait3A_39 : memref<1x632x128xbf16, #tpu.memory_space<hbm>> -> memref<632x128xbf16, #tpu.memory_space<hbm>>
      %dma_wait3A_41 = arith.constant 0 : i32
      %dma_wait3A_42 = tpu.memref_slice %arg11[%mul3A_29, %dma_wait3A_41] : memref<10112x128xbf16, #tpu.memory_space<vmem_shared>> -> memref<632x128xbf16, #tpu.memory_space<vmem_shared>>
      tpu.wait_dma2 semaphore(%run_scoped3A_32 : memref<!tpu.dma_semaphore, #tpu.memory_space<semaphore_mem>>) src(%dma_wait3A_42 : memref<632x128xbf16, #tpu.memory_space<vmem_shared>>) dst(%dma_wait3A_40 : memref<632x128xbf16, #tpu.memory_space<hbm>>)
      tpu.yield
    }) : () -> ()
    return
  }
}

#map = affine_map<(d0, d1) -> (0, 0, 0)>
#map1 = affine_map<(d0, d1) -> (0, 0)>
module attributes {stable_mosaic.version = 14 : i64} {
  func.func @scat_kernel(%arg0: i32, %arg1: i32, %arg2: memref<32x125x80xi32, #tpu.memory_space<hbm>>, %arg3: memref<32x125x80xi32, #tpu.memory_space<hbm>>, %arg4: memref<632x128xbf16, #tpu.memory_space<hbm>>, %arg5: memref<10000x128xbf16, #tpu.memory_space<hbm>>, %arg6: memref<2x10112x128xbf16, #tpu.memory_space<hbm>>, %arg7: memref<125x80xi32, #tpu.memory_space<vmem>>, %arg8: memref<125x80xi32, #tpu.memory_space<vmem>>, %arg9: memref<80x128xbf16, #tpu.memory_space<vmem>>, %arg10: memref<80x128xbf16, #tpu.memory_space<vmem>>, %arg11: memref<10112x128xbf16, #tpu.memory_space<vmem_shared>>, %arg12: memref<!tpu.dma_semaphore, #tpu.memory_space<semaphore_mem>>, %arg13: memref<!tpu.dma_semaphore, #tpu.memory_space<semaphore_mem>>, %arg14: memref<!tpu.dma_semaphore, #tpu.memory_space<semaphore_mem>>, %arg15: memref<!tpu.dma_semaphore, #tpu.memory_space<semaphore_mem>>) attributes {dimension_semantics = [#tpu.dimension_semantics<core_parallel>, #tpu.dimension_semantics<subcore_parallel>], iteration_bounds = array<i64: 2, 16>, scalar_prefetch = 0 : i64, scratch_operands = 9 : i64, tpu.core_type = #tpu.core_type<sc_vector_subcore>, window_params = [{transform_indices = #map}, {transform_indices = #map}, {transform_indices = #map1}, {transform_indices = #map1}, {transform_indices = #map}]} {
    %mul3A = arith.constant 16 : i32
    %mul3A_0 = arith.muli %arg0, %mul3A : i32
    %add3A = arith.addi %mul3A_0, %arg1 : i32
    %mul3A_1 = arith.constant 632 : i32
    %mul3A_2 = arith.muli %arg1, %mul3A_1 : i32
    "tpu.region"() ({
      %run_scoped3A_32 = tpu.sem_alloc : memref<!tpu.dma_semaphore, #tpu.memory_space<semaphore_mem>>
      %dma_start3A_33 = arith.constant 0 : i32
      %dma_start3A_34 = tpu.memref_slice %arg11[%mul3A_2, %dma_start3A_33] : memref<10112x128xbf16, #tpu.memory_space<vmem_shared>> -> memref<632x128xbf16, #tpu.memory_space<vmem_shared>>
      tpu.enqueue_dma source(%arg4 : memref<632x128xbf16, #tpu.memory_space<hbm>>) target(%dma_start3A_34 : memref<632x128xbf16, #tpu.memory_space<vmem_shared>>) target_semaphore(%run_scoped3A_32 : memref<!tpu.dma_semaphore, #tpu.memory_space<semaphore_mem>>)
      %dma_wait3A_35 = arith.constant 0 : i32
      %dma_wait3A_36 = tpu.memref_slice %arg11[%mul3A_2, %dma_wait3A_35] : memref<10112x128xbf16, #tpu.memory_space<vmem_shared>> -> memref<632x128xbf16, #tpu.memory_space<vmem_shared>>
      tpu.wait_dma2 semaphore(%run_scoped3A_32 : memref<!tpu.dma_semaphore, #tpu.memory_space<semaphore_mem>>) src(%arg4 : memref<632x128xbf16, #tpu.memory_space<hbm>>) dst(%dma_wait3A_36 : memref<632x128xbf16, #tpu.memory_space<vmem_shared>>)
      tpu.yield
    }) : () -> ()
    "tpu.region"() ({
      %run_scoped3A_32 = tpu.sem_alloc : memref<!tpu.dma_semaphore, #tpu.memory_space<semaphore_mem>>
      %dma_start3A_33 = arith.constant 0 : i32
      %dma_start3A_34 = arith.constant 0 : i32
      %dma_start3A_35 = tpu.memref_slice %arg2[%add3A, %dma_start3A_33, %dma_start3A_34] : memref<32x125x80xi32, #tpu.memory_space<hbm>> -> memref<1x125x80xi32, #tpu.memory_space<hbm>>
      %dma_start3A_36 = tpu.memref_squeeze %dma_start3A_35 : memref<1x125x80xi32, #tpu.memory_space<hbm>> -> memref<125x80xi32, #tpu.memory_space<hbm>>
      %dma_start3A_37 = arith.constant 0 : i32
      %dma_start3A_38 = arith.constant 0 : i32
      %dma_start3A_39 = tpu.memref_slice %arg2[%add3A, %dma_start3A_37, %dma_start3A_38] : memref<32x125x80xi32, #tpu.memory_space<hbm>> -> memref<1x125x80xi32, #tpu.memory_space<hbm>>
      %dma_start3A_40 = tpu.memref_squeeze %dma_start3A_39 : memref<1x125x80xi32, #tpu.memory_space<hbm>> -> memref<125x80xi32, #tpu.memory_space<hbm>>
      tpu.enqueue_dma source(%dma_start3A_40 : memref<125x80xi32, #tpu.memory_space<hbm>>) target(%arg7 : memref<125x80xi32, #tpu.memory_space<vmem>>) target_semaphore(%run_scoped3A_32 : memref<!tpu.dma_semaphore, #tpu.memory_space<semaphore_mem>>)
      %dma_wait3A_41 = arith.constant 0 : i32
      %dma_wait3A_42 = arith.constant 0 : i32
      %dma_wait3A_43 = tpu.memref_slice %arg2[%add3A, %dma_wait3A_41, %dma_wait3A_42] : memref<32x125x80xi32, #tpu.memory_space<hbm>> -> memref<1x125x80xi32, #tpu.memory_space<hbm>>
      %dma_wait3A_44 = tpu.memref_squeeze %dma_wait3A_43 : memref<1x125x80xi32, #tpu.memory_space<hbm>> -> memref<125x80xi32, #tpu.memory_space<hbm>>
      %dma_wait3A_45 = arith.constant 0 : i32
      %dma_wait3A_46 = arith.constant 0 : i32
      %dma_wait3A_47 = tpu.memref_slice %arg2[%add3A, %dma_wait3A_45, %dma_wait3A_46] : memref<32x125x80xi32, #tpu.memory_space<hbm>> -> memref<1x125x80xi32, #tpu.memory_space<hbm>>
      %dma_wait3A_48 = tpu.memref_squeeze %dma_wait3A_47 : memref<1x125x80xi32, #tpu.memory_space<hbm>> -> memref<125x80xi32, #tpu.memory_space<hbm>>
      tpu.wait_dma2 semaphore(%run_scoped3A_32 : memref<!tpu.dma_semaphore, #tpu.memory_space<semaphore_mem>>) src(%dma_wait3A_48 : memref<125x80xi32, #tpu.memory_space<hbm>>) dst(%arg7 : memref<125x80xi32, #tpu.memory_space<vmem>>)
      tpu.yield
    }) : () -> ()
    "tpu.region"() ({
      %run_scoped3A_32 = tpu.sem_alloc : memref<!tpu.dma_semaphore, #tpu.memory_space<semaphore_mem>>
      %dma_start3A_33 = arith.constant 0 : i32
      %dma_start3A_34 = arith.constant 0 : i32
      %dma_start3A_35 = tpu.memref_slice %arg3[%add3A, %dma_start3A_33, %dma_start3A_34] : memref<32x125x80xi32, #tpu.memory_space<hbm>> -> memref<1x125x80xi32, #tpu.memory_space<hbm>>
      %dma_start3A_36 = tpu.memref_squeeze %dma_start3A_35 : memref<1x125x80xi32, #tpu.memory_space<hbm>> -> memref<125x80xi32, #tpu.memory_space<hbm>>
      %dma_start3A_37 = arith.constant 0 : i32
      %dma_start3A_38 = arith.constant 0 : i32
      %dma_start3A_39 = tpu.memref_slice %arg3[%add3A, %dma_start3A_37, %dma_start3A_38] : memref<32x125x80xi32, #tpu.memory_space<hbm>> -> memref<1x125x80xi32, #tpu.memory_space<hbm>>
      %dma_start3A_40 = tpu.memref_squeeze %dma_start3A_39 : memref<1x125x80xi32, #tpu.memory_space<hbm>> -> memref<125x80xi32, #tpu.memory_space<hbm>>
      tpu.enqueue_dma source(%dma_start3A_40 : memref<125x80xi32, #tpu.memory_space<hbm>>) target(%arg8 : memref<125x80xi32, #tpu.memory_space<vmem>>) target_semaphore(%run_scoped3A_32 : memref<!tpu.dma_semaphore, #tpu.memory_space<semaphore_mem>>)
      %dma_wait3A_41 = arith.constant 0 : i32
      %dma_wait3A_42 = arith.constant 0 : i32
      %dma_wait3A_43 = tpu.memref_slice %arg3[%add3A, %dma_wait3A_41, %dma_wait3A_42] : memref<32x125x80xi32, #tpu.memory_space<hbm>> -> memref<1x125x80xi32, #tpu.memory_space<hbm>>
      %dma_wait3A_44 = tpu.memref_squeeze %dma_wait3A_43 : memref<1x125x80xi32, #tpu.memory_space<hbm>> -> memref<125x80xi32, #tpu.memory_space<hbm>>
      %dma_wait3A_45 = arith.constant 0 : i32
      %dma_wait3A_46 = arith.constant 0 : i32
      %dma_wait3A_47 = tpu.memref_slice %arg3[%add3A, %dma_wait3A_45, %dma_wait3A_46] : memref<32x125x80xi32, #tpu.memory_space<hbm>> -> memref<1x125x80xi32, #tpu.memory_space<hbm>>
      %dma_wait3A_48 = tpu.memref_squeeze %dma_wait3A_47 : memref<1x125x80xi32, #tpu.memory_space<hbm>> -> memref<125x80xi32, #tpu.memory_space<hbm>>
      tpu.wait_dma2 semaphore(%run_scoped3A_32 : memref<!tpu.dma_semaphore, #tpu.memory_space<semaphore_mem>>) src(%dma_wait3A_48 : memref<125x80xi32, #tpu.memory_space<hbm>>) dst(%arg8 : memref<125x80xi32, #tpu.memory_space<vmem>>)
      tpu.yield
    }) : () -> ()
    %barrier3A = arith.constant 0 : index
    tpu.barrier barrier_id(%barrier3A)
    %dma_start3A = arith.constant 0 : i32
    %dma_start3A_3 = arith.constant 0 : i32
    %dma_start3A_4 = tpu.memref_slice %arg7[%dma_start3A, %dma_start3A_3] : memref<125x80xi32, #tpu.memory_space<vmem>> -> memref<1x80xi32, #tpu.memory_space<vmem>>
    %dma_start3A_5 = tpu.memref_squeeze %dma_start3A_4 : memref<1x80xi32, #tpu.memory_space<vmem>> -> memref<80xi32, #tpu.memory_space<vmem>>
    %dma_start3A_6 = arith.constant 0 : i32
    %dma_start3A_7 = arith.constant 0 : i32
    %dma_start3A_8 = tpu.memref_slice %arg5[%dma_start3A_6, %dma_start3A_7] : memref<10000x128xbf16, #tpu.memory_space<hbm>> -> memref<10000x128xbf16, #tpu.memory_space<hbm>>
    tpu.enqueue_indirect_dma source(%dma_start3A_8 : memref<10000x128xbf16, #tpu.memory_space<hbm>>) target(%arg9 : memref<80x128xbf16, #tpu.memory_space<vmem>>) offsets(%dma_start3A_5 : memref<80xi32, #tpu.memory_space<vmem>>) semaphore(%arg12 : memref<!tpu.dma_semaphore, #tpu.memory_space<semaphore_mem>>)
    %dma_start3A_9 = arith.constant 1 : i32
    %dma_start3A_10 = arith.constant 0 : i32
    %dma_start3A_11 = tpu.memref_slice %arg7[%dma_start3A_9, %dma_start3A_10] : memref<125x80xi32, #tpu.memory_space<vmem>> -> memref<1x80xi32, #tpu.memory_space<vmem>>
    %dma_start3A_12 = tpu.memref_squeeze %dma_start3A_11 : memref<1x80xi32, #tpu.memory_space<vmem>> -> memref<80xi32, #tpu.memory_space<vmem>>
    %dma_start3A_13 = arith.constant 0 : i32
    %dma_start3A_14 = arith.constant 0 : i32
    %dma_start3A_15 = tpu.memref_slice %arg5[%dma_start3A_13, %dma_start3A_14] : memref<10000x128xbf16, #tpu.memory_space<hbm>> -> memref<10000x128xbf16, #tpu.memory_space<hbm>>
    tpu.enqueue_indirect_dma source(%dma_start3A_15 : memref<10000x128xbf16, #tpu.memory_space<hbm>>) target(%arg10 : memref<80x128xbf16, #tpu.memory_space<vmem>>) offsets(%dma_start3A_12 : memref<80xi32, #tpu.memory_space<vmem>>) semaphore(%arg13 : memref<!tpu.dma_semaphore, #tpu.memory_space<semaphore_mem>>)
    %scan3A = arith.constant 0 : i32
    %scan3A_16 = arith.constant 0 : i32
    %scan3A_17 = arith.constant 62 : i32
    %scan3A_18 = arith.addi %scan3A_16, %scan3A_17 : i32
    %scan3A_19 = arith.constant 1 : i32
    scf.for %scan3A_32 = %scan3A_16 to %scan3A_18 step %scan3A_19  : i32 {
      %mul3A_33 = arith.constant 2 : i32
      %mul3A_34 = arith.muli %mul3A_33, %scan3A_32 : i32
      %dma_wait3A_35 = arith.constant 0 : i32
      %dma_wait3A_36 = tpu.memref_slice %arg7[%mul3A_34, %dma_wait3A_35] : memref<125x80xi32, #tpu.memory_space<vmem>> -> memref<1x80xi32, #tpu.memory_space<vmem>>
      %dma_wait3A_37 = tpu.memref_squeeze %dma_wait3A_36 : memref<1x80xi32, #tpu.memory_space<vmem>> -> memref<80xi32, #tpu.memory_space<vmem>>
      %dma_wait3A_38 = arith.constant 0 : i32
      %dma_wait3A_39 = arith.constant 0 : i32
      %dma_wait3A_40 = tpu.memref_slice %arg5[%dma_wait3A_38, %dma_wait3A_39] : memref<10000x128xbf16, #tpu.memory_space<hbm>> -> memref<10000x128xbf16, #tpu.memory_space<hbm>>
      tpu.wait_indirect_dma semaphore(%arg12 : memref<!tpu.dma_semaphore, #tpu.memory_space<semaphore_mem>>) src(%dma_wait3A_40 : memref<10000x128xbf16, #tpu.memory_space<hbm>>) dst(%arg9 : memref<80x128xbf16, #tpu.memory_space<vmem>>)
      %dma_start3A_41 = arith.constant 0 : i32
      %dma_start3A_42 = tpu.memref_slice %arg8[%mul3A_34, %dma_start3A_41] : memref<125x80xi32, #tpu.memory_space<vmem>> -> memref<1x80xi32, #tpu.memory_space<vmem>>
      %dma_start3A_43 = tpu.memref_squeeze %dma_start3A_42 : memref<1x80xi32, #tpu.memory_space<vmem>> -> memref<80xi32, #tpu.memory_space<vmem>>
      %dma_start3A_44 = arith.constant 0 : i32
      %dma_start3A_45 = arith.constant 0 : i32
      %dma_start3A_46 = tpu.memref_slice %arg11[%dma_start3A_44, %dma_start3A_45] : memref<10112x128xbf16, #tpu.memory_space<vmem_shared>> -> memref<10112x128xbf16, #tpu.memory_space<vmem_shared>>
      tpu.enqueue_indirect_dma source(%arg9 : memref<80x128xbf16, #tpu.memory_space<vmem>>) target(%dma_start3A_46 : memref<10112x128xbf16, #tpu.memory_space<vmem_shared>>) offsets(%dma_start3A_43 : memref<80xi32, #tpu.memory_space<vmem>>) semaphore(%arg14 : memref<!tpu.dma_semaphore, #tpu.memory_space<semaphore_mem>>) {add = true}
      %add3A_47 = arith.constant 1 : i32
      %add3A_48 = arith.addi %mul3A_34, %add3A_47 : i32
      %dma_wait3A_49 = arith.constant 0 : i32
      %dma_wait3A_50 = tpu.memref_slice %arg7[%add3A_48, %dma_wait3A_49] : memref<125x80xi32, #tpu.memory_space<vmem>> -> memref<1x80xi32, #tpu.memory_space<vmem>>
      %dma_wait3A_51 = tpu.memref_squeeze %dma_wait3A_50 : memref<1x80xi32, #tpu.memory_space<vmem>> -> memref<80xi32, #tpu.memory_space<vmem>>
      %dma_wait3A_52 = arith.constant 0 : i32
      %dma_wait3A_53 = arith.constant 0 : i32
      %dma_wait3A_54 = tpu.memref_slice %arg5[%dma_wait3A_52, %dma_wait3A_53] : memref<10000x128xbf16, #tpu.memory_space<hbm>> -> memref<10000x128xbf16, #tpu.memory_space<hbm>>
      tpu.wait_indirect_dma semaphore(%arg13 : memref<!tpu.dma_semaphore, #tpu.memory_space<semaphore_mem>>) src(%dma_wait3A_54 : memref<10000x128xbf16, #tpu.memory_space<hbm>>) dst(%arg10 : memref<80x128xbf16, #tpu.memory_space<vmem>>)
      %add3A_55 = arith.constant 1 : i32
      %add3A_56 = arith.addi %mul3A_34, %add3A_55 : i32
      %dma_start3A_57 = arith.constant 0 : i32
      %dma_start3A_58 = tpu.memref_slice %arg8[%add3A_56, %dma_start3A_57] : memref<125x80xi32, #tpu.memory_space<vmem>> -> memref<1x80xi32, #tpu.memory_space<vmem>>
      %dma_start3A_59 = tpu.memref_squeeze %dma_start3A_58 : memref<1x80xi32, #tpu.memory_space<vmem>> -> memref<80xi32, #tpu.memory_space<vmem>>
      %dma_start3A_60 = arith.constant 0 : i32
      %dma_start3A_61 = arith.constant 0 : i32
      %dma_start3A_62 = tpu.memref_slice %arg11[%dma_start3A_60, %dma_start3A_61] : memref<10112x128xbf16, #tpu.memory_space<vmem_shared>> -> memref<10112x128xbf16, #tpu.memory_space<vmem_shared>>
      tpu.enqueue_indirect_dma source(%arg10 : memref<80x128xbf16, #tpu.memory_space<vmem>>) target(%dma_start3A_62 : memref<10112x128xbf16, #tpu.memory_space<vmem_shared>>) offsets(%dma_start3A_59 : memref<80xi32, #tpu.memory_space<vmem>>) semaphore(%arg15 : memref<!tpu.dma_semaphore, #tpu.memory_space<semaphore_mem>>) {add = true}
      %dma_wait3A_63 = arith.constant 0 : i32
      %dma_wait3A_64 = tpu.memref_slice %arg8[%mul3A_34, %dma_wait3A_63] : memref<125x80xi32, #tpu.memory_space<vmem>> -> memref<1x80xi32, #tpu.memory_space<vmem>>
      %dma_wait3A_65 = tpu.memref_squeeze %dma_wait3A_64 : memref<1x80xi32, #tpu.memory_space<vmem>> -> memref<80xi32, #tpu.memory_space<vmem>>
      %dma_wait3A_66 = arith.constant 0 : i32
      %dma_wait3A_67 = arith.constant 0 : i32
      %dma_wait3A_68 = tpu.memref_slice %arg11[%dma_wait3A_66, %dma_wait3A_67] : memref<10112x128xbf16, #tpu.memory_space<vmem_shared>> -> memref<10112x128xbf16, #tpu.memory_space<vmem_shared>>
      tpu.wait_indirect_dma semaphore(%arg14 : memref<!tpu.dma_semaphore, #tpu.memory_space<semaphore_mem>>) src(%arg9 : memref<80x128xbf16, #tpu.memory_space<vmem>>) dst(%dma_wait3A_68 : memref<10112x128xbf16, #tpu.memory_space<vmem_shared>>)
      %add3A_69 = arith.constant 2 : i32
      %add3A_70 = arith.addi %mul3A_34, %add3A_69 : i32
      %lt3A = arith.constant 125 : i32
      %lt3A_71 = arith.cmpi slt, %add3A_70, %lt3A : i32
      %convert_element_type3A = arith.extui %lt3A_71 : i1 to i32
      %cond3A = arith.constant 0 : i32
      %cond3A_72 = arith.cmpi ne, %convert_element_type3A, %cond3A : i32
      scf.if %cond3A_72 {
        %add3A_88 = arith.constant 2 : i32
        %add3A_89 = arith.addi %mul3A_34, %add3A_88 : i32
        %dma_start3A_90 = arith.constant 0 : i32
        %dma_start3A_91 = tpu.memref_slice %arg7[%add3A_89, %dma_start3A_90] : memref<125x80xi32, #tpu.memory_space<vmem>> -> memref<1x80xi32, #tpu.memory_space<vmem>>
        %dma_start3A_92 = tpu.memref_squeeze %dma_start3A_91 : memref<1x80xi32, #tpu.memory_space<vmem>> -> memref<80xi32, #tpu.memory_space<vmem>>
        %dma_start3A_93 = arith.constant 0 : i32
        %dma_start3A_94 = arith.constant 0 : i32
        %dma_start3A_95 = tpu.memref_slice %arg5[%dma_start3A_93, %dma_start3A_94] : memref<10000x128xbf16, #tpu.memory_space<hbm>> -> memref<10000x128xbf16, #tpu.memory_space<hbm>>
        tpu.enqueue_indirect_dma source(%dma_start3A_95 : memref<10000x128xbf16, #tpu.memory_space<hbm>>) target(%arg9 : memref<80x128xbf16, #tpu.memory_space<vmem>>) offsets(%dma_start3A_92 : memref<80xi32, #tpu.memory_space<vmem>>) semaphore(%arg12 : memref<!tpu.dma_semaphore, #tpu.memory_space<semaphore_mem>>)
      } else {
      }
      %add3A_73 = arith.constant 1 : i32
      %add3A_74 = arith.addi %mul3A_34, %add3A_73 : i32
      %dma_wait3A_75 = arith.constant 0 : i32
      %dma_wait3A_76 = tpu.memref_slice %arg8[%add3A_74, %dma_wait3A_75] : memref<125x80xi32, #tpu.memory_space<vmem>> -> memref<1x80xi32, #tpu.memory_space<vmem>>
      %dma_wait3A_77 = tpu.memref_squeeze %dma_wait3A_76 : memref<1x80xi32, #tpu.memory_space<vmem>> -> memref<80xi32, #tpu.memory_space<vmem>>
      %dma_wait3A_78 = arith.constant 0 : i32
      %dma_wait3A_79 = arith.constant 0 : i32
      %dma_wait3A_80 = tpu.memref_slice %arg11[%dma_wait3A_78, %dma_wait3A_79] : memref<10112x128xbf16, #tpu.memory_space<vmem_shared>> -> memref<10112x128xbf16, #tpu.memory_space<vmem_shared>>
      tpu.wait_indirect_dma semaphore(%arg15 : memref<!tpu.dma_semaphore, #tpu.memory_space<semaphore_mem>>) src(%arg10 : memref<80x128xbf16, #tpu.memory_space<vmem>>) dst(%dma_wait3A_80 : memref<10112x128xbf16, #tpu.memory_space<vmem_shared>>)
      %add3A_81 = arith.constant 3 : i32
      %add3A_82 = arith.addi %mul3A_34, %add3A_81 : i32
      %lt3A_83 = arith.constant 125 : i32
      %lt3A_84 = arith.cmpi slt, %add3A_82, %lt3A_83 : i32
      %convert_element_type3A_85 = arith.extui %lt3A_84 : i1 to i32
      %cond3A_86 = arith.constant 0 : i32
      %cond3A_87 = arith.cmpi ne, %convert_element_type3A_85, %cond3A_86 : i32
      scf.if %cond3A_87 {
        %add3A_88 = arith.constant 3 : i32
        %add3A_89 = arith.addi %mul3A_34, %add3A_88 : i32
        %dma_start3A_90 = arith.constant 0 : i32
        %dma_start3A_91 = tpu.memref_slice %arg7[%add3A_89, %dma_start3A_90] : memref<125x80xi32, #tpu.memory_space<vmem>> -> memref<1x80xi32, #tpu.memory_space<vmem>>
        %dma_start3A_92 = tpu.memref_squeeze %dma_start3A_91 : memref<1x80xi32, #tpu.memory_space<vmem>> -> memref<80xi32, #tpu.memory_space<vmem>>
        %dma_start3A_93 = arith.constant 0 : i32
        %dma_start3A_94 = arith.constant 0 : i32
        %dma_start3A_95 = tpu.memref_slice %arg5[%dma_start3A_93, %dma_start3A_94] : memref<10000x128xbf16, #tpu.memory_space<hbm>> -> memref<10000x128xbf16, #tpu.memory_space<hbm>>
        tpu.enqueue_indirect_dma source(%dma_start3A_95 : memref<10000x128xbf16, #tpu.memory_space<hbm>>) target(%arg10 : memref<80x128xbf16, #tpu.memory_space<vmem>>) offsets(%dma_start3A_92 : memref<80xi32, #tpu.memory_space<vmem>>) semaphore(%arg13 : memref<!tpu.dma_semaphore, #tpu.memory_space<semaphore_mem>>)
      } else {
      }
    }
    %scan3A_20 = arith.constant 62 : i32
    %dma_wait3A = arith.constant 124 : i32
    %dma_wait3A_21 = arith.constant 0 : i32
    %dma_wait3A_22 = tpu.memref_slice %arg7[%dma_wait3A, %dma_wait3A_21] : memref<125x80xi32, #tpu.memory_space<vmem>> -> memref<1x80xi32, #tpu.memory_space<vmem>>
    %dma_wait3A_23 = tpu.memref_squeeze %dma_wait3A_22 : memref<1x80xi32, #tpu.memory_space<vmem>> -> memref<80xi32, #tpu.memory_space<vmem>>
    %dma_wait3A_24 = arith.constant 0 : i32
    %dma_wait3A_25 = arith.constant 0 : i32
    %dma_wait3A_26 = tpu.memref_slice %arg5[%dma_wait3A_24, %dma_wait3A_25] : memref<10000x128xbf16, #tpu.memory_space<hbm>> -> memref<10000x128xbf16, #tpu.memory_space<hbm>>
    tpu.wait_indirect_dma semaphore(%arg12 : memref<!tpu.dma_semaphore, #tpu.memory_space<semaphore_mem>>) src(%dma_wait3A_26 : memref<10000x128xbf16, #tpu.memory_space<hbm>>) dst(%arg9 : memref<80x128xbf16, #tpu.memory_space<vmem>>)
    %run_scoped3A = arith.constant 124 : i32
    "tpu.region"() ({
      %run_scoped3A_32 = tpu.sem_alloc : memref<!tpu.dma_semaphore, #tpu.memory_space<semaphore_mem>>
      %dma_start3A_33 = arith.constant 0 : i32
      %dma_start3A_34 = tpu.memref_slice %arg8[%run_scoped3A, %dma_start3A_33] : memref<125x80xi32, #tpu.memory_space<vmem>> -> memref<1x80xi32, #tpu.memory_space<vmem>>
      %dma_start3A_35 = tpu.memref_squeeze %dma_start3A_34 : memref<1x80xi32, #tpu.memory_space<vmem>> -> memref<80xi32, #tpu.memory_space<vmem>>
      %dma_start3A_36 = arith.constant 0 : i32
      %dma_start3A_37 = arith.constant 0 : i32
      %dma_start3A_38 = tpu.memref_slice %arg11[%dma_start3A_36, %dma_start3A_37] : memref<10112x128xbf16, #tpu.memory_space<vmem_shared>> -> memref<10112x128xbf16, #tpu.memory_space<vmem_shared>>
      tpu.enqueue_indirect_dma source(%arg9 : memref<80x128xbf16, #tpu.memory_space<vmem>>) target(%dma_start3A_38 : memref<10112x128xbf16, #tpu.memory_space<vmem_shared>>) offsets(%dma_start3A_35 : memref<80xi32, #tpu.memory_space<vmem>>) semaphore(%run_scoped3A_32 : memref<!tpu.dma_semaphore, #tpu.memory_space<semaphore_mem>>) {add = true}
      %dma_wait3A_39 = arith.constant 0 : i32
      %dma_wait3A_40 = tpu.memref_slice %arg8[%run_scoped3A, %dma_wait3A_39] : memref<125x80xi32, #tpu.memory_space<vmem>> -> memref<1x80xi32, #tpu.memory_space<vmem>>
      %dma_wait3A_41 = tpu.memref_squeeze %dma_wait3A_40 : memref<1x80xi32, #tpu.memory_space<vmem>> -> memref<80xi32, #tpu.memory_space<vmem>>
      %dma_wait3A_42 = arith.constant 0 : i32
      %dma_wait3A_43 = arith.constant 0 : i32
      %dma_wait3A_44 = tpu.memref_slice %arg11[%dma_wait3A_42, %dma_wait3A_43] : memref<10112x128xbf16, #tpu.memory_space<vmem_shared>> -> memref<10112x128xbf16, #tpu.memory_space<vmem_shared>>
      tpu.wait_indirect_dma semaphore(%run_scoped3A_32 : memref<!tpu.dma_semaphore, #tpu.memory_space<semaphore_mem>>) src(%arg9 : memref<80x128xbf16, #tpu.memory_space<vmem>>) dst(%dma_wait3A_44 : memref<10112x128xbf16, #tpu.memory_space<vmem_shared>>)
      tpu.yield
    }) : () -> ()
    %barrier3A_27 = arith.constant 0 : index
    tpu.barrier barrier_id(%barrier3A_27)
    %mul3A_28 = arith.constant 632 : i32
    %mul3A_29 = arith.muli %arg1, %mul3A_28 : i32
    %mul3A_30 = arith.constant 632 : i32
    %mul3A_31 = arith.muli %arg1, %mul3A_30 : i32
    "tpu.region"() ({
      %run_scoped3A_32 = tpu.sem_alloc : memref<!tpu.dma_semaphore, #tpu.memory_space<semaphore_mem>>
      %dma_start3A_33 = arith.constant 0 : i32
      %dma_start3A_34 = tpu.memref_slice %arg6[%arg0, %mul3A_31, %dma_start3A_33] : memref<2x10112x128xbf16, #tpu.memory_space<hbm>> -> memref<1x632x128xbf16, #tpu.memory_space<hbm>>
      %dma_start3A_35 = tpu.memref_squeeze %dma_start3A_34 : memref<1x632x128xbf16, #tpu.memory_space<hbm>> -> memref<632x128xbf16, #tpu.memory_space<hbm>>
      %dma_start3A_36 = arith.constant 0 : i32
      %dma_start3A_37 = tpu.memref_slice %arg11[%mul3A_29, %dma_start3A_36] : memref<10112x128xbf16, #tpu.memory_space<vmem_shared>> -> memref<632x128xbf16, #tpu.memory_space<vmem_shared>>
      tpu.enqueue_dma source(%dma_start3A_37 : memref<632x128xbf16, #tpu.memory_space<vmem_shared>>) target(%dma_start3A_35 : memref<632x128xbf16, #tpu.memory_space<hbm>>) target_semaphore(%run_scoped3A_32 : memref<!tpu.dma_semaphore, #tpu.memory_space<semaphore_mem>>)
      %dma_wait3A_38 = arith.constant 0 : i32
      %dma_wait3A_39 = tpu.memref_slice %arg6[%arg0, %mul3A_31, %dma_wait3A_38] : memref<2x10112x128xbf16, #tpu.memory_space<hbm>> -> memref<1x632x128xbf16, #tpu.memory_space<hbm>>
      %dma_wait3A_40 = tpu.memref_squeeze %dma_wait3A_39 : memref<1x632x128xbf16, #tpu.memory_space<hbm>> -> memref<632x128xbf16, #tpu.memory_space<hbm>>
      %dma_wait3A_41 = arith.constant 0 : i32
      %dma_wait3A_42 = tpu.memref_slice %arg11[%mul3A_29, %dma_wait3A_41] : memref<10112x128xbf16, #tpu.memory_space<vmem_shared>> -> memref<632x128xbf16, #tpu.memory_space<vmem_shared>>
      tpu.wait_dma2 semaphore(%run_scoped3A_32 : memref<!tpu.dma_semaphore, #tpu.memory_space<semaphore_mem>>) src(%dma_wait3A_42 : memref<632x128xbf16, #tpu.memory_space<vmem_shared>>) dst(%dma_wait3A_40 : memref<632x128xbf16, #tpu.memory_space<hbm>>)
      tpu.yield
    }) : () -> ()
    return
  }
}

module attributes {stable_mosaic.version = 14 : i64} {
  func.func @body(%arg0: i32, %arg1: memref<1000x128xf32, #tpu.memory_space<vmem>>, %arg2: memref<128x128xf32, #tpu.memory_space<vmem>>, %arg3: memref<2x1000x16xf32, #tpu.memory_space<vmem>>, %arg4: memref<1000x128xf32, #tpu.memory_space<vmem>>, %arg5: memref<1000x128xbf16, #tpu.memory_space<vmem>>, %arg6: memref<1000x16xf32, #tpu.memory_space<vmem>>) attributes {dimension_semantics = [#tpu.dimension_semantics<arbitrary>], iteration_bounds = array<i64: 10>, scalar_prefetch = 0 : i64, scratch_operands = 0 : i64, tpu.core_type = #tpu.core_type<tc>, window_params = [{transform_indices = @transform_0, window_bounds = array<i64: 1000, 128>}, {pipeline_mode = #tpu.pipeline_mode<synchronous>, transform_indices = @transform_1, window_bounds = array<i64: 128, 128>}, {transform_indices = @transform_2, window_bounds = array<i64: 2, 1000, 16>}, {transform_indices = @transform_3, window_bounds = array<i64: 1000, 128>}, {transform_indices = @transform_4, window_bounds = array<i64: 1000, 128>}, {transform_indices = @transform_5, window_bounds = array<i64: 1000, 16>}]} {
    %get3A = arith.constant 0 : index
    %get3A_0 = arith.constant 0 : index
    %get3A_1 = arith.constant 0 : index
    %get3A_2 = vector.load %arg3[%get3A, %get3A_0, %get3A_1] : memref<2x1000x16xf32, #tpu.memory_space<vmem>>, vector<1x1000x16xf32>
    %get3A_3 = vector.shape_cast %get3A_2 : vector<1x1000x16xf32> to vector<1000x16xf32>
    %get3A_4 = arith.constant 1 : index
    %get3A_5 = arith.constant 0 : index
    %get3A_6 = arith.constant 0 : index
    %get3A_7 = vector.load %arg3[%get3A_4, %get3A_5, %get3A_6] : memref<2x1000x16xf32, #tpu.memory_space<vmem>>, vector<1x1000x16xf32>
    %get3A_8 = vector.shape_cast %get3A_7 : vector<1x1000x16xf32> to vector<1000x16xf32>
    %add3A = arith.addf %get3A_3, %get3A_8 : vector<1000x16xf32>
    %add3A_9 = arith.constant 1.000000e+00 : f32
    %add3A_10 = vector.broadcast %add3A_9 : f32 to vector<1000x16xf32>
    %add3A_11 = arith.addf %add3A, %add3A_10 : vector<1000x16xf32>
    %rsqrt3A = math.rsqrt %add3A_11 : vector<1000x16xf32>
    %swap3A = arith.constant 0 : index
    %swap3A_12 = arith.constant 0 : index
    %swap3A_13 = vector.load %arg6[%swap3A, %swap3A_12] : memref<1000x16xf32, #tpu.memory_space<vmem>>, vector<1000x16xf32>
    tpu.vector_store %arg6[%swap3A, %swap3A_12], %rsqrt3A {strides = array<i32>} : memref<1000x16xf32, #tpu.memory_space<vmem>>, vector<1000x16xf32>,
    %get3A_14 = arith.constant 0 : index
    %get3A_15 = arith.constant 0 : index
    %get3A_16 = vector.load %arg1[%get3A_14, %get3A_15] : memref<1000x128xf32, #tpu.memory_space<vmem>>, vector<1000x128xf32>
    %get3A_17 = arith.constant 0 : index
    %get3A_18 = arith.constant 0 : index
    %get3A_19 = vector.load %arg2[%get3A_17, %get3A_18] : memref<128x128xf32, #tpu.memory_space<vmem>>, vector<128x128xf32>
    %dot_general3A = arith.constant dense<0.000000e+00> : vector<1000x128xf32>
    %dot_general3A_20 = tpu.matmul %get3A_16, %get3A_19, %dot_general3A {dimension_numbers = #tpu.dot_dimension_numbers<[1], [0], [0], [1], [0, 0, 1, 1], [], []>, transpose_lhs_hint = false} : vector<1000x128xf32>, vector<128x128xf32>, vector<1000x128xf32> -> vector<1000x128xf32>
    %slice3A = vector.extract_strided_slice %rsqrt3A {offsets = [0, 0], sizes = [1000, 1], strides = [1, 1]} : vector<1000x16xf32> to vector<1000x1xf32>
    %mul3A = vector.broadcast %slice3A : vector<1000x1xf32> to vector<1000x128xf32>
    %mul3A_21 = arith.mulf %dot_general3A_20, %mul3A : vector<1000x128xf32>
    %swap3A_22 = arith.constant 0 : index
    %swap3A_23 = arith.constant 0 : index
    %swap3A_24 = vector.load %arg4[%swap3A_22, %swap3A_23] : memref<1000x128xf32, #tpu.memory_space<vmem>>, vector<1000x128xf32>
    tpu.vector_store %arg4[%swap3A_22, %swap3A_23], %mul3A_21 {strides = array<i32>} : memref<1000x128xf32, #tpu.memory_space<vmem>>, vector<1000x128xf32>,
    %convert_element_type3A = arith.truncf %mul3A_21 : vector<1000x128xf32> to vector<1000x128xbf16>
    %swap3A_25 = arith.constant 0 : index
    %swap3A_26 = arith.constant 0 : index
    %swap3A_27 = vector.load %arg5[%swap3A_25, %swap3A_26] : memref<1000x128xbf16, #tpu.memory_space<vmem>>, vector<1000x128xbf16>
    tpu.vector_store %arg5[%swap3A_25, %swap3A_26], %convert_element_type3A {strides = array<i32>} : memref<1000x128xbf16, #tpu.memory_space<vmem>>, vector<1000x128xbf16>,
    return
  }
  func.func @transform_0(%arg0: i32) -> (i32, i32) {
    %c0_i32 = arith.constant 0 : i32
    %c0_i32_0 = arith.constant 0 : i32
    return %arg0, %c0_i32 : i32, i32
  }
  func.func @transform_1(%arg0: i32) -> (i32, i32) {
    %c0_i32 = arith.constant 0 : i32
    %c0_i32_0 = arith.constant 0 : i32
    %c0_i32_1 = arith.constant 0 : i32
    return %c0_i32, %c0_i32_0 : i32, i32
  }
  func.func @transform_2(%arg0: i32) -> (i32, i32, i32) {
    %c0_i32 = arith.constant 0 : i32
    %c0_i32_0 = arith.constant 0 : i32
    %c0_i32_1 = arith.constant 0 : i32
    return %c0_i32, %arg0, %c0_i32_0 : i32, i32, i32
  }
  func.func @transform_3(%arg0: i32) -> (i32, i32) {
    %c0_i32 = arith.constant 0 : i32
    %c0_i32_0 = arith.constant 0 : i32
    return %arg0, %c0_i32 : i32, i32
  }
  func.func @transform_4(%arg0: i32) -> (i32, i32) {
    %c0_i32 = arith.constant 0 : i32
    %c0_i32_0 = arith.constant 0 : i32
    return %arg0, %c0_i32 : i32, i32
  }
  func.func @transform_5(%arg0: i32) -> (i32, i32) {
    %c0_i32 = arith.constant 0 : i32
    %c0_i32_0 = arith.constant 0 : i32
    return %arg0, %c0_i32 : i32, i32
  }
}

module attributes {stable_mosaic.version = 14 : i64} {
  func.func @body(%arg0: i32, %arg1: memref<2x1000x128xbf16, #tpu.memory_space<vmem>>, %arg2: memref<1000x128xf32, #tpu.memory_space<vmem>>, %arg3: memref<1000x16xf32, #tpu.memory_space<vmem>>, %arg4: memref<1x128xf32, #tpu.memory_space<vmem>>, %arg5: memref<128x128xf32, #tpu.memory_space<vmem>>, %arg6: memref<1000x128xf32, #tpu.memory_space<vmem>>, %arg7: memref<1000x128xbf16, #tpu.memory_space<vmem>>) attributes {dimension_semantics = [#tpu.dimension_semantics<arbitrary>], iteration_bounds = array<i64: 10>, scalar_prefetch = 0 : i64, scratch_operands = 0 : i64, tpu.core_type = #tpu.core_type<tc>, window_params = [{transform_indices = @transform_0, window_bounds = array<i64: 2, 1000, 128>}, {transform_indices = @transform_1, window_bounds = array<i64: 1000, 128>}, {transform_indices = @transform_2, window_bounds = array<i64: 1000, 16>}, {pipeline_mode = #tpu.pipeline_mode<synchronous>, transform_indices = @transform_3, window_bounds = array<i64: 1, 128>}, {pipeline_mode = #tpu.pipeline_mode<synchronous>, transform_indices = @transform_4, window_bounds = array<i64: 128, 128>}, {transform_indices = @transform_5, window_bounds = array<i64: 1000, 128>}, {transform_indices = @transform_6, window_bounds = array<i64: 1000, 128>}]} {
    %get3A = arith.constant 0 : index
    %get3A_0 = arith.constant 0 : index
    %get3A_1 = arith.constant 0 : index
    %get3A_2 = vector.load %arg1[%get3A, %get3A_0, %get3A_1] : memref<2x1000x128xbf16, #tpu.memory_space<vmem>>, vector<1x1000x128xbf16>
    %get3A_3 = vector.shape_cast %get3A_2 : vector<1x1000x128xbf16> to vector<1000x128xbf16>
    %get3A_4 = arith.constant 1 : index
    %get3A_5 = arith.constant 0 : index
    %get3A_6 = arith.constant 0 : index
    %get3A_7 = vector.load %arg1[%get3A_4, %get3A_5, %get3A_6] : memref<2x1000x128xbf16, #tpu.memory_space<vmem>>, vector<1x1000x128xbf16>
    %get3A_8 = vector.shape_cast %get3A_7 : vector<1x1000x128xbf16> to vector<1000x128xbf16>
    %add3A = arith.addf %get3A_3, %get3A_8 : vector<1000x128xbf16>
    %convert_element_type3A = arith.extf %add3A : vector<1000x128xbf16> to vector<1000x128xf32>
    %get3A_9 = arith.constant 0 : index
    %get3A_10 = arith.constant 0 : index
    %get3A_11 = vector.load %arg2[%get3A_9, %get3A_10] : memref<1000x128xf32, #tpu.memory_space<vmem>>, vector<1000x128xf32>
    %add3A_12 = arith.addf %convert_element_type3A, %get3A_11 : vector<1000x128xf32>
    %get3A_13 = arith.constant 0 : index
    %get3A_14 = arith.constant 0 : index
    %get3A_15 = vector.load %arg3[%get3A_13, %get3A_14] : memref<1000x16xf32, #tpu.memory_space<vmem>>, vector<1000x16xf32>
    %slice3A = vector.extract_strided_slice %get3A_15 {offsets = [0, 0], sizes = [1000, 1], strides = [1, 1]} : vector<1000x16xf32> to vector<1000x1xf32>
    %mul3A = vector.broadcast %slice3A : vector<1000x1xf32> to vector<1000x128xf32>
    %mul3A_16 = arith.mulf %add3A_12, %mul3A : vector<1000x128xf32>
    %get3A_17 = arith.constant 0 : index
    %get3A_18 = arith.constant 0 : index
    %get3A_19 = vector.load %arg4[%get3A_17, %get3A_18] : memref<1x128xf32, #tpu.memory_space<vmem>>, vector<1x128xf32>
    %add3A_20 = vector.broadcast %get3A_19 : vector<1x128xf32> to vector<1000x128xf32>
    %add3A_21 = arith.addf %mul3A_16, %add3A_20 : vector<1000x128xf32>
    %max3A = arith.constant 0.000000e+00 : f32
    %max3A_22 = vector.broadcast %max3A : f32 to vector<1000x128xf32>
    %max3A_23 = arith.maximumf %add3A_21, %max3A_22 : vector<1000x128xf32>
    %get3A_24 = arith.constant 0 : index
    %get3A_25 = arith.constant 0 : index
    %get3A_26 = vector.load %arg5[%get3A_24, %get3A_25] : memref<128x128xf32, #tpu.memory_space<vmem>>, vector<128x128xf32>
    %dot_general3A = arith.constant dense<0.000000e+00> : vector<1000x128xf32>
    %dot_general3A_27 = tpu.matmul %max3A_23, %get3A_26, %dot_general3A {dimension_numbers = #tpu.dot_dimension_numbers<[1], [0], [0], [1], [0, 0, 1, 1], [], []>, transpose_lhs_hint = false} : vector<1000x128xf32>, vector<128x128xf32>, vector<1000x128xf32> -> vector<1000x128xf32>
    %mul3A_28 = vector.broadcast %slice3A : vector<1000x1xf32> to vector<1000x128xf32>
    %mul3A_29 = arith.mulf %dot_general3A_27, %mul3A_28 : vector<1000x128xf32>
    %swap3A = arith.constant 0 : index
    %swap3A_30 = arith.constant 0 : index
    %swap3A_31 = vector.load %arg6[%swap3A, %swap3A_30] : memref<1000x128xf32, #tpu.memory_space<vmem>>, vector<1000x128xf32>
    tpu.vector_store %arg6[%swap3A, %swap3A_30], %mul3A_29 {strides = array<i32>} : memref<1000x128xf32, #tpu.memory_space<vmem>>, vector<1000x128xf32>,
    %convert_element_type3A_32 = arith.truncf %mul3A_29 : vector<1000x128xf32> to vector<1000x128xbf16>
    %swap3A_33 = arith.constant 0 : index
    %swap3A_34 = arith.constant 0 : index
    %swap3A_35 = vector.load %arg7[%swap3A_33, %swap3A_34] : memref<1000x128xbf16, #tpu.memory_space<vmem>>, vector<1000x128xbf16>
    tpu.vector_store %arg7[%swap3A_33, %swap3A_34], %convert_element_type3A_32 {strides = array<i32>} : memref<1000x128xbf16, #tpu.memory_space<vmem>>, vector<1000x128xbf16>,
    return
  }
  func.func @transform_0(%arg0: i32) -> (i32, i32, i32) {
    %c0_i32 = arith.constant 0 : i32
    %c0_i32_0 = arith.constant 0 : i32
    %c0_i32_1 = arith.constant 0 : i32
    return %c0_i32, %arg0, %c0_i32_0 : i32, i32, i32
  }
  func.func @transform_1(%arg0: i32) -> (i32, i32) {
    %c0_i32 = arith.constant 0 : i32
    %c0_i32_0 = arith.constant 0 : i32
    return %arg0, %c0_i32 : i32, i32
  }
  func.func @transform_2(%arg0: i32) -> (i32, i32) {
    %c0_i32 = arith.constant 0 : i32
    %c0_i32_0 = arith.constant 0 : i32
    return %arg0, %c0_i32 : i32, i32
  }
  func.func @transform_3(%arg0: i32) -> (i32, i32) {
    %c0_i32 = arith.constant 0 : i32
    %c0_i32_0 = arith.constant 0 : i32
    %c0_i32_1 = arith.constant 0 : i32
    return %c0_i32, %c0_i32_0 : i32, i32
  }
  func.func @transform_4(%arg0: i32) -> (i32, i32) {
    %c0_i32 = arith.constant 0 : i32
    %c0_i32_0 = arith.constant 0 : i32
    %c0_i32_1 = arith.constant 0 : i32
    return %c0_i32, %c0_i32_0 : i32, i32
  }
  func.func @transform_5(%arg0: i32) -> (i32, i32) {
    %c0_i32 = arith.constant 0 : i32
    %c0_i32_0 = arith.constant 0 : i32
    return %arg0, %c0_i32 : i32, i32
  }
  func.func @transform_6(%arg0: i32) -> (i32, i32) {
    %c0_i32 = arith.constant 0 : i32
    %c0_i32_0 = arith.constant 0 : i32
    return %arg0, %c0_i32 : i32, i32
  }
}

module attributes {stable_mosaic.version = 14 : i64} {
  func.func @body(%arg0: i32, %arg1: memref<2x1000x128xbf16, #tpu.memory_space<vmem>>, %arg2: memref<1000x128xf32, #tpu.memory_space<vmem>>, %arg3: memref<1000x16xf32, #tpu.memory_space<vmem>>, %arg4: memref<1x128xf32, #tpu.memory_space<vmem>>, %arg5: memref<1000x128xf32, #tpu.memory_space<vmem>>) attributes {dimension_semantics = [#tpu.dimension_semantics<arbitrary>], iteration_bounds = array<i64: 10>, scalar_prefetch = 0 : i64, scratch_operands = 0 : i64, tpu.core_type = #tpu.core_type<tc>, window_params = [{transform_indices = @transform_0, window_bounds = array<i64: 2, 1000, 128>}, {transform_indices = @transform_1, window_bounds = array<i64: 1000, 128>}, {transform_indices = @transform_2, window_bounds = array<i64: 1000, 16>}, {pipeline_mode = #tpu.pipeline_mode<synchronous>, transform_indices = @transform_3, window_bounds = array<i64: 1, 128>}, {transform_indices = @transform_4, window_bounds = array<i64: 1000, 128>}]} {
    %get3A = arith.constant 0 : index
    %get3A_0 = arith.constant 0 : index
    %get3A_1 = arith.constant 0 : index
    %get3A_2 = vector.load %arg1[%get3A, %get3A_0, %get3A_1] : memref<2x1000x128xbf16, #tpu.memory_space<vmem>>, vector<1x1000x128xbf16>
    %get3A_3 = vector.shape_cast %get3A_2 : vector<1x1000x128xbf16> to vector<1000x128xbf16>
    %get3A_4 = arith.constant 1 : index
    %get3A_5 = arith.constant 0 : index
    %get3A_6 = arith.constant 0 : index
    %get3A_7 = vector.load %arg1[%get3A_4, %get3A_5, %get3A_6] : memref<2x1000x128xbf16, #tpu.memory_space<vmem>>, vector<1x1000x128xbf16>
    %get3A_8 = vector.shape_cast %get3A_7 : vector<1x1000x128xbf16> to vector<1000x128xbf16>
    %add3A = arith.addf %get3A_3, %get3A_8 : vector<1000x128xbf16>
    %convert_element_type3A = arith.extf %add3A : vector<1000x128xbf16> to vector<1000x128xf32>
    %get3A_9 = arith.constant 0 : index
    %get3A_10 = arith.constant 0 : index
    %get3A_11 = vector.load %arg2[%get3A_9, %get3A_10] : memref<1000x128xf32, #tpu.memory_space<vmem>>, vector<1000x128xf32>
    %add3A_12 = arith.addf %convert_element_type3A, %get3A_11 : vector<1000x128xf32>
    %get3A_13 = arith.constant 0 : index
    %get3A_14 = arith.constant 0 : index
    %get3A_15 = vector.load %arg3[%get3A_13, %get3A_14] : memref<1000x16xf32, #tpu.memory_space<vmem>>, vector<1000x16xf32>
    %slice3A = vector.extract_strided_slice %get3A_15 {offsets = [0, 0], sizes = [1000, 1], strides = [1, 1]} : vector<1000x16xf32> to vector<1000x1xf32>
    %mul3A = vector.broadcast %slice3A : vector<1000x1xf32> to vector<1000x128xf32>
    %mul3A_16 = arith.mulf %add3A_12, %mul3A : vector<1000x128xf32>
    %get3A_17 = arith.constant 0 : index
    %get3A_18 = arith.constant 0 : index
    %get3A_19 = vector.load %arg4[%get3A_17, %get3A_18] : memref<1x128xf32, #tpu.memory_space<vmem>>, vector<1x128xf32>
    %add3A_20 = vector.broadcast %get3A_19 : vector<1x128xf32> to vector<1000x128xf32>
    %add3A_21 = arith.addf %mul3A_16, %add3A_20 : vector<1000x128xf32>
    %swap3A = arith.constant 0 : index
    %swap3A_22 = arith.constant 0 : index
    %swap3A_23 = vector.load %arg5[%swap3A, %swap3A_22] : memref<1000x128xf32, #tpu.memory_space<vmem>>, vector<1000x128xf32>
    tpu.vector_store %arg5[%swap3A, %swap3A_22], %add3A_21 {strides = array<i32>} : memref<1000x128xf32, #tpu.memory_space<vmem>>, vector<1000x128xf32>,
    return
  }
  func.func @transform_0(%arg0: i32) -> (i32, i32, i32) {
    %c0_i32 = arith.constant 0 : i32
    %c0_i32_0 = arith.constant 0 : i32
    %c0_i32_1 = arith.constant 0 : i32
    return %c0_i32, %arg0, %c0_i32_0 : i32, i32, i32
  }
  func.func @transform_1(%arg0: i32) -> (i32, i32) {
    %c0_i32 = arith.constant 0 : i32
    %c0_i32_0 = arith.constant 0 : i32
    return %arg0, %c0_i32 : i32, i32
  }
  func.func @transform_2(%arg0: i32) -> (i32, i32) {
    %c0_i32 = arith.constant 0 : i32
    %c0_i32_0 = arith.constant 0 : i32
    return %arg0, %c0_i32 : i32, i32
  }
  func.func @transform_3(%arg0: i32) -> (i32, i32) {
    %c0_i32 = arith.constant 0 : i32
    %c0_i32_0 = arith.constant 0 : i32
    %c0_i32_1 = arith.constant 0 : i32
    return %c0_i32, %c0_i32_0 : i32, i32
  }
  func.func @transform_4(%arg0: i32) -> (i32, i32) {
    %c0_i32 = arith.constant 0 : i32
    %c0_i32_0 = arith.constant 0 : i32
    return %arg0, %c0_i32 : i32, i32
  }
}

</mosaic_0001>

<sc_bundles>
// kernel: kernel.11.cloned.1.call-start
scs
__scs_entry_jumppad:
0x0: {  	(pc) =	sbr.rel $0x88, $3  }
0x1: {  	(tag) =	ssettag $0x0;
	lr =	simm.s32 $0x1  }
0x2: {  	[smem:$0x3F9B] =	sst lr;
	_ =	strace $0xD0000000  }
0x3: {  	_ = 	snop  }
0x4: {  	_ = 	snop  }
0x5: {  	_ = 	snop  }
0x6: {  	_ = 	snop  }
0x7: {  	_ = 	snop  }
__scs_overlays_trampoline_lowered:
0x8: {  	[smem:$0x3FAA] =	sst s0  }
0x9: {  	[smem:$0x3FAB] =	sst s1  }
0xa: {  	[smem:$0x3FAC] =	sst s2  }
0xb: {  	[smem:$0x3FAD] =	sst s3  }
0xc: {  	[smem:$0x3FAE] =	sst s4  }
0xd: {  	[smem:$0x3FAF] =	sst s5  }
0xe: {  	[smem:$0x3FB0] =	sst s6  }
0xf: {  	[smem:$0x3FB1] =	sst s7  }
0x10: {  	[smem:$0x3FB2] =	sst s8  }
0x11: {  	[smem:$0x3FB3] =	sst s9;
	s0 =	simm.s32 @!p0 $0x0  }
0x12: {  	s1 =	sld [smem:$0x3F99];
	s0 =	simm.s32 @p0 $0x1  }
0x13: {  	[smem:$0x3FB4] =	sst s0;
	s0 =	simm.s32 @!p1 $0x0  }
0x14: {  	s2 =	sld [smem:$0x3F98];
	s0 =	simm.s32 @p1 $0x1  }
0x15: {  	[smem:$0x3FB5] =	sst s0;
	s0 =	simm.s32 @!p2 $0x0  }
0x16: {  	s3 =	sld [smem:$0x3FDB];
	s0 =	simm.s32 @p2 $0x1  }
0x17: {  	s4 =	simm.s32 $0x1BF5;
	[smem:$0x3FB7] =	sst s0  }
0x18: {  	s0 =	sld [smem:$0x3F9A];
	_ =	swait.ge [sflag:s4], $0x0  }
0x19: {  	s7 =	sld [smem:$0x3F9B]  }
0x1a: {  	s8 =	sadd.s32 $0xFFFFE003, lr  }
0x1b: {  	s9 =	sadd.s32 $0xFFFFFEF7, lr;
	s5 =	simm.s32 $0xFFFFFFFF;
	p2 =	slt.u32 s8, $0xFFFFF086  }
0x1c: {  	p1 =	slt.u32 s9, $0xF7A;
	s5 =	simm.s32 @!p2 $0x0  }
0x1d: {  	s5 =	simm.s32 @p1 $0x1;
	p0 =	seq.s32 s7, s2  }
0x1e: {  	s7 =	smul.u32 @!p0 $0xF7A, s2;
	p2 =	seq.s32 @!p0 s5, $0x0  }
0x1f: {  	s9 =	smul.u32 $0xF7A, s1;
	s8 =	simm.s32 @!p0 $0x1BF5;
	p2 =	por !p2, p0  }
0x20: {  	[sflag:s8] =	ssyncset.s32 @!p0 $0xFFFFF086;
	s6 =	sadd.s32 @!p0 s3, s7;
	s7 =	simm.s32 @!p0 $0x108  }
0x21: {  	s3 =	sadd.s32 s3, s9;
	s6 =	sadd.s32 @!p0 $0x88, s6;
	s7 =	simm.s32 @p2 $0x1082  }
0x22: {  	[simem:s7], [sflag:s8] =	dma.local @!p0 [hbm:s6], $0xF7A  }
0x23: {  	s9 =	sor.u32 $0xD0000000, s2;
	s6 =	simm.s32 $0x108;
	_ =	swait.ge @!p0 [sflag:s8], $0x0  }
0x24: {  	s3 =	sadd.s32 $0x88, s3;
	s6 =	simm.s32 @!p1 $0x1082;
	[sflag:s4] =	ssyncset.s32 $0xFFFFF086  }
0x25: {  	[simem:s6], [sflag:s4] =	dma.local [hbm:s3], $0xF7A  }
0x26: {  	[smem:$0x3F9B] =	sst s1;
	(tag) =	ssettag s2;
	_ =	strace s9  }
0x27: {  	s1 =	sld [smem:$0x3FAB]  }
0x28: {  	s2 =	sld [smem:$0x3FAC]  }
0x29: {  	s4 =	sld [smem:$0x3FAE]  }
0x2a: {  	p0 =	seq.s32 s5, $0x0;
	s5 =	sld [smem:$0x3FAF]  }
0x2b: {  	s6 =	sld [smem:$0x3FB0]  }
0x2c: {  	s7 =	sld [smem:$0x3FB1]  }
0x2d: {  	s3 =	simm.s32 $0x108;
	s8 =	sld [smem:$0x3FB2]  }
0x2e: {  	s3 =	simm.s32 @!p0 $0x1082;
	s9 =	sld [smem:$0x3FB3]  }
0x2f: {  	lr =	sadd.s32 s0, s3;
	s0 =	sld [smem:$0x3FAA]  }
0x30: {  	s3 =	sld [smem:$0x3FAD]  }
0x31: {  	[smem:$0x3FB6] =	sst s10  }
0x32: {  	s10 =	sld [smem:$0x3FB4];
	_ =	sdelay $0x3  }
0x33: {  	p0 =	seq.s32 s10, $0x1;
	s10 =	sld [smem:$0x3FB6];
	_ =	sdelay $0x3  }
0x34: {  	[smem:$0x3FB6] =	sst s10  }
0x35: {  	s10 =	sld [smem:$0x3FB5];
	_ =	sdelay $0x3  }
0x36: {  	p1 =	seq.s32 s10, $0x1;
	s10 =	sld [smem:$0x3FB6];
	_ =	sdelay $0x3  }
0x37: {  	[smem:$0x3FB6] =	sst s10  }
0x38: {  	s10 =	sld [smem:$0x3FB7]  }
0x39: {  	_ = 	snop;
	(pc) =	sbr.ind lr, $3  }
0x3a: {  	_ = 	snop  }
0x3b: {  	_ = 	snop  }
0x3c: {  	p2 =	seq.s32 s10, $0x1;
	s10 =	sld [smem:$0x3FB6]  }
0x3d: {  	_ =	shalt  }
0x3e: {  	_ =	shalt  }
0x3f: {  	_ =	shalt  }
0x40: {  	_ =	shalt  }
0x41: {  	_ =	shalt  }
0x42: {  	_ =	shalt  }
0x43: {  	_ =	shalt  }
0x44: {  	_ =	shalt  }
0x45: {  	_ =	shalt  }
0x46: {  	_ =	shalt  }
0x47: {  	_ =	shalt  }
0x48: {  	_ =	shalt  }
0x49: {  	_ =	shalt  }
0x4a: {  	_ =	shalt  }
0x4b: {  	_ =	shalt  }
0x4c: {  	_ =	shalt  }
0x4d: {  	_ =	shalt  }
0x4e: {  	_ =	shalt  }
0x4f: {  	_ =	shalt  }
0x50: {  	_ =	shalt  }
0x51: {  	_ =	shalt  }
0x52: {  	_ =	shalt  }
0x53: {  	_ =	shalt  }
0x54: {  	_ =	shalt  }
0x55: {  	_ =	shalt  }
0x56: {  	_ =	shalt  }
0x57: {  	_ =	shalt  }
0x58: {  	_ =	shalt  }
0x59: {  	_ =	shalt  }
0x5a: {  	_ =	shalt  }
0x5b: {  	_ =	shalt  }
0x5c: {  	_ =	shalt  }
0x5d: {  	_ =	shalt  }
0x5e: {  	_ =	shalt  }
0x5f: {  	_ =	shalt  }
0x60: {  	_ =	shalt  }
0x61: {  	_ =	shalt  }
0x62: {  	_ =	shalt  }
0x63: {  	_ =	shalt  }
0x64: {  	_ =	shalt  }
0x65: {  	_ =	shalt  }
0x66: {  	_ =	shalt  }
0x67: {  	_ =	shalt  }
0x68: {  	_ =	shalt  }
0x69: {  	_ =	shalt  }
0x6a: {  	_ =	shalt  }
0x6b: {  	_ =	shalt  }
0x6c: {  	_ =	shalt  }
0x6d: {  	_ =	shalt  }
0x6e: {  	_ =	shalt  }
0x6f: {  	_ =	shalt  }
0x70: {  	_ =	shalt  }
0x71: {  	_ =	shalt  }
0x72: {  	_ =	shalt  }
0x73: {  	_ =	shalt  }
0x74: {  	_ =	shalt  }
0x75: {  	_ =	shalt  }
0x76: {  	_ =	shalt  }
0x77: {  	_ =	shalt  }
0x78: {  	_ =	shalt  }
0x79: {  	_ =	shalt  }
0x7a: {  	_ =	shalt  }
0x7b: {  	_ =	shalt  }
0x7c: {  	_ =	shalt  }
0x7d: {  	_ =	shalt  }
0x7e: {  	_ =	shalt  }
0x7f: {  	_ =	shalt  }
0x80: {  	_ =	shalt  }
0x81: {  	_ =	shalt  }
0x82: {  	_ =	shalt  }
0x83: {  	_ =	shalt  }
0x84: {  	_ =	shalt  }
0x85: {  	_ =	shalt  }
0x86: {  	_ =	shalt  }
0x87: {  	_ =	shalt  }
.Lfunc_end0:
.L_simem_size_0:
called_computation.1_lowered:
.L_overlay_start_0:
0x88: {  	s2 =	sld [smem:$0x3FD9]  }
0x89: {  	s3 =	sld [smem:$0x3FFE];
	_ =	sdelay $0x1  }
0x8a: {  	s1 =	srdreg.scid  }
0x8b: {  	s0 =	sand.u32 $0x1, s1  }
0x8c: {  	s17 =	sshll.u32 s0, $0xA;
	s2 =	sadd.s32 s3, s2  }
0x8d: {  	s2 =	sadd.s32 s2, s17  }
0x8e: {  	[smem:$0x3FC2] =	sst s2  }
0x8f: {  	_ = 	snop  }
0x90: {  	s2 =	sld [smem:$0x3FD0];
	(tm) =	ssettm $0x1  }
0x91: {  	s18 =	sld [smem:$0x3FFB];
	_ =	sdelay $0x3  }
0x92: {  	_ =	strace s18  }
0x93: {  	s3 =	sld [smem:$0x3FFC];
	_ =	sdelay $0x3  }
0x94: {  	_ =	strace s3  }
0x95: {  	s3 =	sld [smem:$0x3FFD];
	_ =	sdelay $0x3  }
0x96: {  	_ =	strace s3  }
0x97: {  	_ =	strace $0x8FFFFFFF  }
0x98: {  	s19 =	sld [smem:$0x3FDB];
	_ =	sdelay $0x1  }
0x99: {  	s4 =	simm.s32 $_scs_section_size  }
0x9a: {  	s5 =	simm.s32 $_size__tile_overlayer_lowered;
	s6 =	simm.s32 $_tile_overlayer_lowered  }
0x9b: {  	s22 =	simm.s32 $0x1BFF;
	s21 =	sshll.u32 s6, $0x1;
	s3 =	sadd.s32 s4, s19  }
0x9c: {  	s7 =	simm.s32 $0x0;
	s20 =	sshll.u32 s5, $0x1;
	s5 =	sadd.s32 s21, s3  }
0x9d: {  	[timem:s7], [sflag:s22] =	dma.local [hbm:s5], s20  }
0x9e: {  	_ =	swait.ge [sflag:s22], s20  }
0x9f: {  	s4 =	ssub.s32 $0x0, s20;
	[sflag:s22] =	ssyncset.done $0x0  }
0xa0: {  	[sflag:s22] =	ssyncadd.s32 s4;
	_ =	sdelay $0x1  }
0xa1: {  	s23 =	simm.s32 $0x1B8B  }
0xa2: {  	_ =	swait.ge [sflag:s23], $0x1  }
0xa3: {  	[sflag:s23] =	ssyncset.done $0x0  }
0xa4: {  	s25 =	simm.s32 $0x1B8E;
	s24 =	sld [smem:$0x3FFE];
	[sflag:s23] =	ssyncadd.s32 $0xFFFFFFFF  }
0xa5: {  	s26 =	simm.s32 $execute0_lowered;
	[smem:$0x3FD2] =	sst s25  }
0xa6: {  	s5 =	sshll.u32 s26, $0x1;
	_ =	strace $0x80000049;
	[dreg:$0x1] =	wrdreg $0xFFFFFFFF  }
0xa7: {  	s28 =	simm.s32 $_size_execute0_lowered;
	s3 =	sadd.s32 s3, s5;
	[dreg:$0x0] =	wrdreg $0x0  }
0xa8: {  	s5 =	sshll.u32 s28, $0x1;
	[dreg:$0x2] =	wrdreg s3  }
0xa9: {  	[dreg:$0x3] =	wrdreg s5  }
0xaa: {  	[dreg:$0x4] =	wrdreg $0xC0  }
0xab: {  	_ =	task [dreg:s7], $0x5FFFF  }
0xac: {  	[dreg:$0x1] =	wrdreg $0xFFFFFFFF  }
0xad: {  	[dreg:$0x0] =	wrdreg $0x60  }
0xae: {  	[dreg:$0x2] =	wrdreg s24  }
0xaf: {  	[dreg:$0x3] =	wrdreg s2  }
0xb0: {  	[dreg:$0x4] =	wrdreg $0x76200  }
0xb1: {  	[dreg:$0x5] =	wrdreg $0x9  }
0xb2: {  	_ =	task.clear_ibuf [dreg:s7], $0x6FFFF;
	_ =	strace $0x90000049  }
0xb3: {  	s29 =	simm.s32 $0x9;
	_ =	strace $0x8000004B  }
0xb4: {  	_ =	swait.ge [sflag:s29], $0x1  }
0xb5: {  	[sflag:s29] =	ssyncadd.s32 $0xFFFFFFFF  }
0xb6: {  	_ =	strace $0x9000004B  }
0xb7: {  	_ =	sfence  }
0xb8: {  	s30 =	sld [smem:$0x0];
	_ =	sdelay $0x2  }
0xb9: {  	s31 =	sshll.u32 s1, $0xD;
	s1 =	sshrl.u32 s1, $0x2  }
0xba: {  	s3 =	sand.u32 $0x4000, s31;
	s1 =	sadd.s32 s1, s30  }
0xbb: {  	s0 =	sor.u32 s3, s0;
	s1 =	sshll.u32 s1, $0x11  }
0xbc: {  	s0 =	sor.u32 s1, s0  }
0xbd: {  	s0 =	sadd.s32 $0x8F2B, s0  }
0xbe: {  	[sflag:s0] =	ssyncadd.remote.s32 $0x1  }
0xbf: {  	_ =	sfence.sel $0xFFFF  }
0xc0: {  	[dreg:$0x0] =	wrdreg $0xFFFFFFFF;
	(pc) =	sbr.abs _section_cstart, $3  }
0xc1: {  	[dreg:$0x1] =	wrdreg $0xFFFFFFFF  }
0xc2: {  	_ =	task.clear_ibuf [dreg:s7], $0x2FFFF;
	_ =	strace $0x9FFFFFFF  }
0xc3: {  	(tm) =	ssettm $0x7FFFFFFF  }
tec
execute0_lowered:
.L_overlay_start_1:
0x0: {  	(tag) =	ssettag $0x1  }
0x1: {  	s6 =	rddreg [dreg:$0x0]  }
0x2: {  	s2 =	rddreg [dreg:$0x1]  }
0x3: {  	s0 =	srdreg.scid;
	s3 =	rddreg [dreg:$0x2]  }
0x4: {  	s1 =	stileid.u32;
	s4 =	simm.s32 $0x0;
	s14 =	simm.s32 $0x50  }
0x5: {  	s15 =	simm.s32 $0x4E20;
	s16 =	simm.s32 $0x6220;
	s17 =	simm.s32 $0x1  }
0x6: {  	s18 =	simm.s32 $0x2;
	s19 =	simm.s32 $0x3;
	s20 =	simm.s32 $0x4  }
0x7: {  	s21 =	simm.s32 $0x4D30;
	s22 =	simm.s32 $0x4D80;
	s23 =	simm.s32 $0x26C0  }
0x8: {  	s24 =	simm.s32 $0x4DD0;
	s5 =	sand.u32 $0x1, s0;
	s0 =	rddreg [dreg:$0x3]  }
0x9: {  	s25 =	simm.s32 $0x0;
	s8 =	smul.u32 $0x13C00, s1;
	[smem:$0x7FF] =	sst s4  }
0xa: {  	s31 =	sshll.u32 s1, $0x6;
	s7 =	sshll.u32 s5, $0x4;
	s9 =	smul.u32 $0x13C000, s5  }
0xb: {  	_ =	strace $0x8000004A;
	s28 =	ssub.s32 $0x2, s5;
	s7 =	sor.u32 s1, s7  }
0xc: {  	s5 =	sadd.s32 $0x15C00, s6;
	s29 =	sshrl.u32 s28, $0x1;
	s7 =	smul.u32 $0x4E2, s7  }
0xd: {  	s30 =	sshrl.u32 s8, $0x1;
	s9 =	sadd.s32 s8, s9;
	s12 =	ssub.s32 s28, s29  }
0xe: {  	s13 =	sadd.s32 s30, s3;
	s26 =	sshrl.u32 s9, $0x4;
	s10 =	sadd.s32 s7, s6  }
0xf: {  	s11 =	sadd.s32 s26, s6;
	s6 =	sor.u32 $0x1C05, s31;
	s7 =	sadd.s32 $0xB600, s10  }
0x10: {  	s8 =	sadd.s32 $0x1800, s10;
	s9 =	sadd.s32 $0x17000, s11;
	s10 =	smax.u32 s12, $0x1  }
0x11: {  	s11 =	sshrl.u32 s13, $0x3;
	s12 =	simm.s32 $0x5;
	s13 =	simm.s32 $0x2710  }
.LBB2_1:
0x12: {  	[spmem:s11], [sflag:s6] =	dma.local [hbm:s5], $0x13C0  }
0x13: {  	_ =	swait.ge [sflag:s12], $0x13C0  }
0x14: {  	[sflag:s12] =	ssyncset.done $0x0  }
0x15: {  	[sflag:s12] =	ssyncadd.s32 $0xFFFFEC40  }
0x16: {  	[tilespmem:s4], [sflag:$0x5] =	stream.linear.gather [hbm4b:s7+s4], $0x2710, $0x38;
	[tilespmem:$0x11420] =	vst v63  }
0x17: {  	_ =	swait.ge [sflag:s12], $0x2710  }
0x18: {  	[sflag:s12] =	ssyncset.done $0x0  }
0x19: {  	[sflag:s12] =	ssyncadd.s32 $0xFFFFD8F0  }
0x1a: {  	[tilespmem:s13], [sflag:$0x5] =	stream.linear.gather [hbm4b:s8+s4], $0x2710, $0x38;
	[tilespmem:$0x11420] =	vst v63  }
0x1b: {  	_ =	swait.ge [sflag:s12], $0x2710  }
0x1c: {  	[sflag:s12] =	ssyncset.done $0x0  }
0x1d: {  	[sflag:s12] =	ssyncadd.s32 $0xFFFFD8F0  }
0x1e: {  	[bflag:$0x0] =	sbarrier.arrive $0xFFFF  }
0x1f: {  	[tilespmem:s15], [sflag:$0x1] =	stream.indirect.gather [hbm4b:s2+s14], $0x40, s4, s14, $0xb8;
	[tilespmem:$0x11420] =	vst v63  }
0x20: {  	_ = 	snop  }
0x21: {  	[tilespmem:s16], [sflag:$0x2] =	stream.indirect.gather [hbm4b:s2+s14], $0x40, s14, s14, $0xb8;
	[tilespmem:$0x11420] =	vst v63  }
0x22: {  	_ =	swait.ge [sflag:s17], $0x1400  }
0x23: {  	[sflag:s17] =	ssyncset.done $0x0  }
0x24: {  	s26 =	simm.s32 $0x2710;
	[sflag:s17] =	ssyncadd.s32 $0xFFFFEC00  }
0x25: {  	[spmem:s3] =	stream.indirect.scatter.add.bf16 [tilespmem:s15], [sflag:$0x3], $0x40, s26, s14, $0xb8;
	[tilespmem:$0x11420] =	vst v63  }
0x26: {  	_ =	swait.ge [sflag:s18], $0x1400  }
0x27: {  	[sflag:s18] =	ssyncset.done $0x0  }
0x28: {  	s30 =	simm.s32 $0x2760;
	[sflag:s18] =	ssyncadd.s32 $0xFFFFEC00  }
0x29: {  	[spmem:s3] =	stream.indirect.scatter.add.bf16 [tilespmem:s16], [sflag:$0x4], $0x40, s30, s14, $0xb8;
	[tilespmem:$0x11420] =	vst v63  }
0x2a: {  	_ =	swait.ge [sflag:s19], $0x1400  }
0x2b: {  	[sflag:s19] =	ssyncset.done $0x0  }
0x2c: {  	s31 =	simm.s32 $0xA0;
	[sflag:s19] =	ssyncadd.s32 $0xFFFFEC00  }
0x2d: {  	[tilespmem:s15], [sflag:$0x1] =	stream.indirect.gather [hbm4b:s2+s14], $0x40, s31, s14, $0xb8;
	[tilespmem:$0x11420] =	vst v63  }
0x2e: {  	_ =	swait.ge [sflag:s20], $0x1400  }
0x2f: {  	[sflag:s20] =	ssyncset.done $0x0  }
0x30: {  	s28 =	simm.s32 $0xF0;
	s26 =	simm.s32 $0x280;
	[sflag:s20] =	ssyncadd.s32 $0xFFFFEC00  }
.LBB2_2:
0x31: {  	[tilespmem:s16], [sflag:$0x2] =	stream.indirect.gather [hbm4b:s2+s14], $0x40, s28, s14, $0xb8;
	[tilespmem:$0x11420] =	vst v63  }
0x32: {  	s28 =	smov.u32 s26  }
0x33: {  	p0 =	sne.s32 s26, $0x9600;
	s26 =	sadd.s32 $0x280, s26;
	_ =	swait.ge [sflag:s17], $0x1400  }
0x34: {  	s28 =	sshra.s32 s28, $0x2;
	[sflag:s17] =	ssyncset.done $0x0  }
0x35: {  	s29 =	sadd.s32 $0x2710, s28;
	[sflag:s17] =	ssyncadd.s32 $0xFFFFEC00  }
0x36: {  	[spmem:s3] =	stream.indirect.scatter.add.bf16 [tilespmem:s15], [sflag:$0x3], $0x40, s29, s14, $0xb8;
	[tilespmem:$0x11420] =	vst v63  }
0x37: {  	_ =	swait.ge [sflag:s18], $0x1400  }
0x38: {  	[sflag:s18] =	ssyncset.done $0x0  }
0x39: {  	s29 =	sadd.s32 $0x2760, s28;
	[sflag:s18] =	ssyncadd.s32 $0xFFFFEC00  }
0x3a: {  	[spmem:s3] =	stream.indirect.scatter.add.bf16 [tilespmem:s16], [sflag:$0x4], $0x40, s29, s14, $0xb8;
	[tilespmem:$0x11420] =	vst v63  }
0x3b: {  	_ =	swait.ge [sflag:s19], $0x1400  }
0x3c: {  	[sflag:s19] =	ssyncset.done $0x0  }
.Ltmp0:
0x3d: {  	s29 =	sadd.s32 $0xA0, s28;
	[sflag:s19] =	ssyncadd.s32 $0xFFFFEC00;
	(pc) =	sbr.rel @p0 .LBB2_2-.Ltmp0, $4  }
0x3e: {  	[tilespmem:s15], [sflag:$0x1] =	stream.indirect.gather [hbm4b:s2+s14], $0x40, s29, s14, $0xb8;
	[tilespmem:$0x11420] =	vst v63  }
0x3f: {  	_ =	swait.ge [sflag:s20], $0x1400  }
0x40: {  	[sflag:s20] =	ssyncset.done $0x0  }
0x41: {  	s28 =	sadd.s32 $0xF0, s28;
	[sflag:s20] =	ssyncadd.s32 $0xFFFFEC00  }
0x42: {  	[tilespmem:s16], [sflag:$0x2] =	stream.indirect.gather [hbm4b:s2+s14], $0x40, s28, s14, $0xb8;
	[tilespmem:$0x11420] =	vst v63  }
0x43: {  	_ =	swait.ge [sflag:s17], $0x1400  }
0x44: {  	[sflag:s17] =	ssyncset.done $0x0  }
0x45: {  	[sflag:s17] =	ssyncadd.s32 $0xFFFFEC00  }
0x46: {  	[spmem:s3] =	stream.indirect.scatter.add.bf16 [tilespmem:s15], [sflag:$0x3], $0x40, s21, s14, $0xb8;
	[tilespmem:$0x11420] =	vst v63  }
0x47: {  	_ =	swait.ge [sflag:s18], $0x1400  }
0x48: {  	[sflag:s18] =	ssyncset.done $0x0  }
0x49: {  	[sflag:s18] =	ssyncadd.s32 $0xFFFFEC00  }
0x4a: {  	[spmem:s3] =	stream.indirect.scatter.add.bf16 [tilespmem:s16], [sflag:$0x4], $0x40, s22, s14, $0xb8;
	[tilespmem:$0x11420] =	vst v63  }
0x4b: {  	_ =	swait.ge [sflag:s19], $0x1400  }
0x4c: {  	[sflag:s19] =	ssyncset.done $0x0  }
0x4d: {  	[sflag:s19] =	ssyncadd.s32 $0xFFFFEC00  }
0x4e: {  	[tilespmem:s15], [sflag:$0x1] =	stream.indirect.gather [hbm4b:s2+s14], $0x40, s23, s14, $0xb8;
	[tilespmem:$0x11420] =	vst v63  }
0x4f: {  	_ =	swait.ge [sflag:s20], $0x1400  }
0x50: {  	[sflag:s20] =	ssyncset.done $0x0  }
0x51: {  	[sflag:s20] =	ssyncadd.s32 $0xFFFFEC00  }
0x52: {  	_ =	swait.ge [sflag:s17], $0x1400  }
0x53: {  	[sflag:s17] =	ssyncset.done $0x0  }
0x54: {  	[sflag:s17] =	ssyncadd.s32 $0xFFFFEC00  }
0x55: {  	[spmem:s3] =	stream.indirect.scatter.add.bf16 [tilespmem:s15], [sflag:$0x5], $0x40, s24, s14, $0xb8;
	[tilespmem:$0x11420] =	vst v63  }
0x56: {  	_ =	swait.ge [sflag:s12], $0x1400  }
0x57: {  	s25 =	sadd.s32 $0x1, s25;
	[sflag:s12] =	ssyncset.done $0x0  }
0x58: {  	p0 =	sne.s32 s25, s10;
	[sflag:s12] =	ssyncadd.s32 $0xFFFFEC00  }
.Ltmp1:
0x59: {  	[bflag:$0x0] =	sbarrier.arrive $0xFFFF;
	(pc) =	sbr.rel @p0 .LBB2_1-.Ltmp1, $4  }
0x5a: {  	[hbm:s9], [sflag:s6] =	dma.local [spmem:s11], $0x13C0  }
0x5b: {  	_ =	swait.ge [sflag:s12], $0x13C0  }
0x5c: {  	[sflag:s12] =	ssyncset.done $0x0  }
0x5d: {  	[sflag:s12] =	ssyncadd.s32 $0xFFFFEC40  }
0x5e: {  	_ =	sfence.sel $0x180000  }
0x5f: {  	[bflag:$0x0] =	sbarrier.arrive $0xFFFF  }
0x60: {  	p0 =	sne.s32 s1, $0x0;
	_ =	strace $0x9000004A  }
0x61: {  	s0 =	sadd.s32 @!p0 $0x100000, s0;
	[bflag:$0x2] =	sbarrier.arrive $0xFFFF  }
0x62: {  	[sflag:s0] =	ssyncadd.tile.s32 @!p0 $0x1;
	_ =	shalt  }
.Lfunc_end2:
_tile_overlayer_lowered:
.L_overlay_start_2:
0x63: {  	(tag) =	ssettag $0x2  }
0x64: {  	s0 =	rddreg [dreg:$0x0];
	s2 =	stileid.u32  }
0x65: {  	s1 =	rddreg [dreg:$0x1];
	p0 =	sne.s32 s2, $0x0  }
0x66: {  	s3 =	rddreg [dreg:$0x2];
	[bflag:$0x3] =	sbarrier.arrive $0xFFFF;
	s2 =	simm.s32 @!p0 $0x1C05  }
0x67: {  	[timem:s3], [sflag:s2] =	dma.local @!p0 [hbm:s0], s1  }
0x68: {  	s0 =	simm.s32 @!p0 $0x5  }
0x69: {  	_ =	swait.ge @!p0 [sflag:s0], s1  }
0x6a: {  	s1 =	ssub.s32 @!p0 $0x0, s1;
	[sflag:s0] =	ssyncset.done @!p0 $0x0  }
0x6b: {  	[sflag:s0] =	ssyncadd.s32 @!p0 s1  }
0x6c: {  	[bflag:$0x3] =	sbarrier.arrive $0xFFFF  }
0x6d: {  	_ =	shalt  }

// kernel: kernel.14.cloned.1.call-start
scs
__scs_entry_jumppad:
0x0: {  	(pc) =	sbr.rel $0x88, $3  }
0x1: {  	(tag) =	ssettag $0x0;
	lr =	simm.s32 $0x1  }
0x2: {  	[smem:$0x3F9B] =	sst lr;
	_ =	strace $0xD0000000  }
0x3: {  	_ = 	snop  }
0x4: {  	_ = 	snop  }
0x5: {  	_ = 	snop  }
0x6: {  	_ = 	snop  }
0x7: {  	_ = 	snop  }
__scs_overlays_trampoline_lowered:
0x8: {  	[smem:$0x3FAA] =	sst s0  }
0x9: {  	[smem:$0x3FAB] =	sst s1  }
0xa: {  	[smem:$0x3FAC] =	sst s2  }
0xb: {  	[smem:$0x3FAD] =	sst s3  }
0xc: {  	[smem:$0x3FAE] =	sst s4  }
0xd: {  	[smem:$0x3FAF] =	sst s5  }
0xe: {  	[smem:$0x3FB0] =	sst s6  }
0xf: {  	[smem:$0x3FB1] =	sst s7  }
0x10: {  	[smem:$0x3FB2] =	sst s8  }
0x11: {  	[smem:$0x3FB3] =	sst s9;
	s0 =	simm.s32 @!p0 $0x0  }
0x12: {  	s1 =	sld [smem:$0x3F99];
	s0 =	simm.s32 @p0 $0x1  }
0x13: {  	[smem:$0x3FB4] =	sst s0;
	s0 =	simm.s32 @!p1 $0x0  }
0x14: {  	s2 =	sld [smem:$0x3F98];
	s0 =	simm.s32 @p1 $0x1  }
0x15: {  	[smem:$0x3FB5] =	sst s0;
	s0 =	simm.s32 @!p2 $0x0  }
0x16: {  	s3 =	sld [smem:$0x3FDB];
	s0 =	simm.s32 @p2 $0x1  }
0x17: {  	s4 =	simm.s32 $0x1BF5;
	[smem:$0x3FB7] =	sst s0  }
0x18: {  	s0 =	sld [smem:$0x3F9A];
	_ =	swait.ge [sflag:s4], $0x0  }
0x19: {  	s7 =	sld [smem:$0x3F9B]  }
0x1a: {  	s8 =	sadd.s32 $0xFFFFE003, lr  }
0x1b: {  	s9 =	sadd.s32 $0xFFFFFEF7, lr;
	s5 =	simm.s32 $0xFFFFFFFF;
	p2 =	slt.u32 s8, $0xFFFFF086  }
0x1c: {  	p1 =	slt.u32 s9, $0xF7A;
	s5 =	simm.s32 @!p2 $0x0  }
0x1d: {  	s5 =	simm.s32 @p1 $0x1;
	p0 =	seq.s32 s7, s2  }
0x1e: {  	s7 =	smul.u32 @!p0 $0xF7A, s2;
	p2 =	seq.s32 @!p0 s5, $0x0  }
0x1f: {  	s9 =	smul.u32 $0xF7A, s1;
	s8 =	simm.s32 @!p0 $0x1BF5;
	p2 =	por !p2, p0  }
0x20: {  	[sflag:s8] =	ssyncset.s32 @!p0 $0xFFFFF086;
	s6 =	sadd.s32 @!p0 s3, s7;
	s7 =	simm.s32 @!p0 $0x108  }
0x21: {  	s3 =	sadd.s32 s3, s9;
	s6 =	sadd.s32 @!p0 $0x88, s6;
	s7 =	simm.s32 @p2 $0x1082  }
0x22: {  	[simem:s7], [sflag:s8] =	dma.local @!p0 [hbm:s6], $0xF7A  }
0x23: {  	s9 =	sor.u32 $0xD0000000, s2;
	s6 =	simm.s32 $0x108;
	_ =	swait.ge @!p0 [sflag:s8], $0x0  }
0x24: {  	s3 =	sadd.s32 $0x88, s3;
	s6 =	simm.s32 @!p1 $0x1082;
	[sflag:s4] =	ssyncset.s32 $0xFFFFF086  }
0x25: {  	[simem:s6], [sflag:s4] =	dma.local [hbm:s3], $0xF7A  }
0x26: {  	[smem:$0x3F9B] =	sst s1;
	(tag) =	ssettag s2;
	_ =	strace s9  }
0x27: {  	s1 =	sld [smem:$0x3FAB]  }
0x28: {  	s2 =	sld [smem:$0x3FAC]  }
0x29: {  	s4 =	sld [smem:$0x3FAE]  }
0x2a: {  	p0 =	seq.s32 s5, $0x0;
	s5 =	sld [smem:$0x3FAF]  }
0x2b: {  	s6 =	sld [smem:$0x3FB0]  }
0x2c: {  	s7 =	sld [smem:$0x3FB1]  }
0x2d: {  	s3 =	simm.s32 $0x108;
	s8 =	sld [smem:$0x3FB2]  }
0x2e: {  	s3 =	simm.s32 @!p0 $0x1082;
	s9 =	sld [smem:$0x3FB3]  }
0x2f: {  	lr =	sadd.s32 s0, s3;
	s0 =	sld [smem:$0x3FAA]  }
0x30: {  	s3 =	sld [smem:$0x3FAD]  }
0x31: {  	[smem:$0x3FB6] =	sst s10  }
0x32: {  	s10 =	sld [smem:$0x3FB4];
	_ =	sdelay $0x3  }
0x33: {  	p0 =	seq.s32 s10, $0x1;
	s10 =	sld [smem:$0x3FB6];
	_ =	sdelay $0x3  }
0x34: {  	[smem:$0x3FB6] =	sst s10  }
0x35: {  	s10 =	sld [smem:$0x3FB5];
	_ =	sdelay $0x3  }
0x36: {  	p1 =	seq.s32 s10, $0x1;
	s10 =	sld [smem:$0x3FB6];
	_ =	sdelay $0x3  }
0x37: {  	[smem:$0x3FB6] =	sst s10  }
0x38: {  	s10 =	sld [smem:$0x3FB7]  }
0x39: {  	_ = 	snop;
	(pc) =	sbr.ind lr, $3  }
0x3a: {  	_ = 	snop  }
0x3b: {  	_ = 	snop  }
0x3c: {  	p2 =	seq.s32 s10, $0x1;
	s10 =	sld [smem:$0x3FB6]  }
0x3d: {  	_ =	shalt  }
0x3e: {  	_ =	shalt  }
0x3f: {  	_ =	shalt  }
0x40: {  	_ =	shalt  }
0x41: {  	_ =	shalt  }
0x42: {  	_ =	shalt  }
0x43: {  	_ =	shalt  }
0x44: {  	_ =	shalt  }
0x45: {  	_ =	shalt  }
0x46: {  	_ =	shalt  }
0x47: {  	_ =	shalt  }
0x48: {  	_ =	shalt  }
0x49: {  	_ =	shalt  }
0x4a: {  	_ =	shalt  }
0x4b: {  	_ =	shalt  }
0x4c: {  	_ =	shalt  }
0x4d: {  	_ =	shalt  }
0x4e: {  	_ =	shalt  }
0x4f: {  	_ =	shalt  }
0x50: {  	_ =	shalt  }
0x51: {  	_ =	shalt  }
0x52: {  	_ =	shalt  }
0x53: {  	_ =	shalt  }
0x54: {  	_ =	shalt  }
0x55: {  	_ =	shalt  }
0x56: {  	_ =	shalt  }
0x57: {  	_ =	shalt  }
0x58: {  	_ =	shalt  }
0x59: {  	_ =	shalt  }
0x5a: {  	_ =	shalt  }
0x5b: {  	_ =	shalt  }
0x5c: {  	_ =	shalt  }
0x5d: {  	_ =	shalt  }
0x5e: {  	_ =	shalt  }
0x5f: {  	_ =	shalt  }
0x60: {  	_ =	shalt  }
0x61: {  	_ =	shalt  }
0x62: {  	_ =	shalt  }
0x63: {  	_ =	shalt  }
0x64: {  	_ =	shalt  }
0x65: {  	_ =	shalt  }
0x66: {  	_ =	shalt  }
0x67: {  	_ =	shalt  }
0x68: {  	_ =	shalt  }
0x69: {  	_ =	shalt  }
0x6a: {  	_ =	shalt  }
0x6b: {  	_ =	shalt  }
0x6c: {  	_ =	shalt  }
0x6d: {  	_ =	shalt  }
0x6e: {  	_ =	shalt  }
0x6f: {  	_ =	shalt  }
0x70: {  	_ =	shalt  }
0x71: {  	_ =	shalt  }
0x72: {  	_ =	shalt  }
0x73: {  	_ =	shalt  }
0x74: {  	_ =	shalt  }
0x75: {  	_ =	shalt  }
0x76: {  	_ =	shalt  }
0x77: {  	_ =	shalt  }
0x78: {  	_ =	shalt  }
0x79: {  	_ =	shalt  }
0x7a: {  	_ =	shalt  }
0x7b: {  	_ =	shalt  }
0x7c: {  	_ =	shalt  }
0x7d: {  	_ =	shalt  }
0x7e: {  	_ =	shalt  }
0x7f: {  	_ =	shalt  }
0x80: {  	_ =	shalt  }
0x81: {  	_ =	shalt  }
0x82: {  	_ =	shalt  }
0x83: {  	_ =	shalt  }
0x84: {  	_ =	shalt  }
0x85: {  	_ =	shalt  }
0x86: {  	_ =	shalt  }
0x87: {  	_ =	shalt  }
.Lfunc_end0:
.L_simem_size_0:
called_computation.2_lowered:
.L_overlay_start_0:
0x88: {  	s2 =	sld [smem:$0x3FD9]  }
0x89: {  	s3 =	sld [smem:$0x3FFE];
	_ =	sdelay $0x1  }
0x8a: {  	s1 =	srdreg.scid  }
0x8b: {  	s0 =	sand.u32 $0x1, s1  }
0x8c: {  	s17 =	sshll.u32 s0, $0xA;
	s2 =	sadd.s32 s3, s2  }
0x8d: {  	s2 =	sadd.s32 s2, s17  }
0x8e: {  	[smem:$0x3FC2] =	sst s2  }
0x8f: {  	_ = 	snop  }
0x90: {  	s2 =	sld [smem:$0x3FD0];
	(tm) =	ssettm $0x1  }
0x91: {  	s18 =	sld [smem:$0x3FFB];
	_ =	sdelay $0x3  }
0x92: {  	_ =	strace s18  }
0x93: {  	s3 =	sld [smem:$0x3FFC];
	_ =	sdelay $0x3  }
0x94: {  	_ =	strace s3  }
0x95: {  	s3 =	sld [smem:$0x3FFD];
	_ =	sdelay $0x3  }
0x96: {  	_ =	strace s3  }
0x97: {  	_ =	strace $0x8FFFFFFF  }
0x98: {  	s19 =	sld [smem:$0x3FDB];
	_ =	sdelay $0x1  }
0x99: {  	s4 =	simm.s32 $_scs_section_size  }
0x9a: {  	s5 =	simm.s32 $_size__tile_overlayer_lowered;
	s6 =	simm.s32 $_tile_overlayer_lowered  }
0x9b: {  	s22 =	simm.s32 $0x1BFF;
	s21 =	sshll.u32 s6, $0x1;
	s3 =	sadd.s32 s4, s19  }
0x9c: {  	s7 =	simm.s32 $0x0;
	s20 =	sshll.u32 s5, $0x1;
	s5 =	sadd.s32 s21, s3  }
0x9d: {  	[timem:s7], [sflag:s22] =	dma.local [hbm:s5], s20  }
0x9e: {  	_ =	swait.ge [sflag:s22], s20  }
0x9f: {  	s4 =	ssub.s32 $0x0, s20;
	[sflag:s22] =	ssyncset.done $0x0  }
0xa0: {  	[sflag:s22] =	ssyncadd.s32 s4;
	_ =	sdelay $0x1  }
0xa1: {  	s23 =	simm.s32 $0x1B8B  }
0xa2: {  	_ =	swait.ge [sflag:s23], $0x1  }
0xa3: {  	[sflag:s23] =	ssyncset.done $0x0  }
0xa4: {  	s25 =	simm.s32 $0x1B8E;
	s24 =	sld [smem:$0x3FFE];
	[sflag:s23] =	ssyncadd.s32 $0xFFFFFFFF  }
0xa5: {  	s26 =	simm.s32 $execute0_lowered;
	[smem:$0x3FD2] =	sst s25  }
0xa6: {  	s5 =	sshll.u32 s26, $0x1;
	_ =	strace $0x8000004C;
	[dreg:$0x1] =	wrdreg $0xFFFFFFFF  }
0xa7: {  	s28 =	simm.s32 $_size_execute0_lowered;
	s3 =	sadd.s32 s3, s5;
	[dreg:$0x0] =	wrdreg $0x0  }
0xa8: {  	s5 =	sshll.u32 s28, $0x1;
	[dreg:$0x2] =	wrdreg s3  }
0xa9: {  	[dreg:$0x3] =	wrdreg s5  }
0xaa: {  	[dreg:$0x4] =	wrdreg $0xC0  }
0xab: {  	_ =	task [dreg:s7], $0x5FFFF  }
0xac: {  	[dreg:$0x1] =	wrdreg $0xFFFFFFFF  }
0xad: {  	[dreg:$0x0] =	wrdreg $0x60  }
0xae: {  	[dreg:$0x2] =	wrdreg s24  }
0xaf: {  	[dreg:$0x3] =	wrdreg s2  }
0xb0: {  	[dreg:$0x4] =	wrdreg $0x76200  }
0xb1: {  	[dreg:$0x5] =	wrdreg $0x9  }
0xb2: {  	_ =	task.clear_ibuf [dreg:s7], $0x6FFFF;
	_ =	strace $0x9000004C  }
0xb3: {  	s29 =	simm.s32 $0x9;
	_ =	strace $0x8000004E  }
0xb4: {  	_ =	swait.ge [sflag:s29], $0x1  }
0xb5: {  	[sflag:s29] =	ssyncadd.s32 $0xFFFFFFFF  }
0xb6: {  	_ =	strace $0x9000004E  }
0xb7: {  	_ =	sfence  }
0xb8: {  	s30 =	sld [smem:$0x0];
	_ =	sdelay $0x2  }
0xb9: {  	s31 =	sshll.u32 s1, $0xD;
	s1 =	sshrl.u32 s1, $0x2  }
0xba: {  	s3 =	sand.u32 $0x4000, s31;
	s1 =	sadd.s32 s1, s30  }
0xbb: {  	s0 =	sor.u32 s3, s0;
	s1 =	sshll.u32 s1, $0x11  }
0xbc: {  	s0 =	sor.u32 s1, s0  }
0xbd: {  	s0 =	sadd.s32 $0x8F2B, s0  }
0xbe: {  	[sflag:s0] =	ssyncadd.remote.s32 $0x1  }
0xbf: {  	_ =	sfence.sel $0xFFFF  }
0xc0: {  	[dreg:$0x0] =	wrdreg $0xFFFFFFFF;
	(pc) =	sbr.abs _section_cstart, $3  }
0xc1: {  	[dreg:$0x1] =	wrdreg $0xFFFFFFFF  }
0xc2: {  	_ =	task.clear_ibuf [dreg:s7], $0x2FFFF;
	_ =	strace $0x9FFFFFFF  }
0xc3: {  	(tm) =	ssettm $0x7FFFFFFF  }
tec
execute0_lowered:
.L_overlay_start_1:
0x0: {  	(tag) =	ssettag $0x1  }
0x1: {  	s6 =	rddreg [dreg:$0x0]  }
0x2: {  	s2 =	rddreg [dreg:$0x1]  }
0x3: {  	s0 =	srdreg.scid;
	s3 =	rddreg [dreg:$0x2]  }
0x4: {  	s1 =	stileid.u32;
	s4 =	simm.s32 $0x0;
	s14 =	simm.s32 $0x50  }
0x5: {  	s15 =	simm.s32 $0x4E20;
	s16 =	simm.s32 $0x6220;
	s17 =	simm.s32 $0x1  }
0x6: {  	s18 =	simm.s32 $0x2;
	s19 =	simm.s32 $0x3;
	s20 =	simm.s32 $0x4  }
0x7: {  	s21 =	simm.s32 $0x4D30;
	s22 =	simm.s32 $0x4D80;
	s23 =	simm.s32 $0x26C0  }
0x8: {  	s24 =	simm.s32 $0x4DD0;
	s5 =	sand.u32 $0x1, s0;
	s0 =	rddreg [dreg:$0x3]  }
0x9: {  	s25 =	simm.s32 $0x0;
	s8 =	smul.u32 $0x13C00, s1;
	[smem:$0x7FF] =	sst s4  }
0xa: {  	s31 =	sshll.u32 s1, $0x6;
	s7 =	sshll.u32 s5, $0x4;
	s9 =	smul.u32 $0x13C000, s5  }
0xb: {  	_ =	strace $0x8000004D;
	s28 =	ssub.s32 $0x2, s5;
	s7 =	sor.u32 s1, s7  }
0xc: {  	s5 =	sadd.s32 $0x15C00, s6;
	s29 =	sshrl.u32 s28, $0x1;
	s7 =	smul.u32 $0x4E2, s7  }
0xd: {  	s30 =	sshrl.u32 s8, $0x1;
	s9 =	sadd.s32 s8, s9;
	s12 =	ssub.s32 s28, s29  }
0xe: {  	s13 =	sadd.s32 s30, s3;
	s26 =	sshrl.u32 s9, $0x4;
	s10 =	sadd.s32 s7, s6  }
0xf: {  	s11 =	sadd.s32 s26, s6;
	s6 =	sor.u32 $0x1C05, s31;
	s7 =	sadd.s32 $0xB600, s10  }
0x10: {  	s8 =	sadd.s32 $0x1800, s10;
	s9 =	sadd.s32 $0x17000, s11;
	s10 =	smax.u32 s12, $0x1  }
0x11: {  	s11 =	sshrl.u32 s13, $0x3;
	s12 =	simm.s32 $0x5;
	s13 =	simm.s32 $0x2710  }
.LBB2_1:
0x12: {  	[spmem:s11], [sflag:s6] =	dma.local [hbm:s5], $0x13C0  }
0x13: {  	_ =	swait.ge [sflag:s12], $0x13C0  }
0x14: {  	[sflag:s12] =	ssyncset.done $0x0  }
0x15: {  	[sflag:s12] =	ssyncadd.s32 $0xFFFFEC40  }
0x16: {  	[tilespmem:s4], [sflag:$0x5] =	stream.linear.gather [hbm4b:s7+s4], $0x2710, $0x38;
	[tilespmem:$0x11420] =	vst v63  }
0x17: {  	_ =	swait.ge [sflag:s12], $0x2710  }
0x18: {  	[sflag:s12] =	ssyncset.done $0x0  }
0x19: {  	[sflag:s12] =	ssyncadd.s32 $0xFFFFD8F0  }
0x1a: {  	[tilespmem:s13], [sflag:$0x5] =	stream.linear.gather [hbm4b:s8+s4], $0x2710, $0x38;
	[tilespmem:$0x11420] =	vst v63  }
0x1b: {  	_ =	swait.ge [sflag:s12], $0x2710  }
0x1c: {  	[sflag:s12] =	ssyncset.done $0x0  }
0x1d: {  	[sflag:s12] =	ssyncadd.s32 $0xFFFFD8F0  }
0x1e: {  	[bflag:$0x0] =	sbarrier.arrive $0xFFFF  }
0x1f: {  	[tilespmem:s15], [sflag:$0x1] =	stream.indirect.gather [hbm4b:s2+s14], $0x40, s4, s14, $0xb8;
	[tilespmem:$0x11420] =	vst v63  }
0x20: {  	_ = 	snop  }
0x21: {  	[tilespmem:s16], [sflag:$0x2] =	stream.indirect.gather [hbm4b:s2+s14], $0x40, s14, s14, $0xb8;
	[tilespmem:$0x11420] =	vst v63  }
0x22: {  	_ =	swait.ge [sflag:s17], $0x1400  }
0x23: {  	[sflag:s17] =	ssyncset.done $0x0  }
0x24: {  	s26 =	simm.s32 $0x2710;
	[sflag:s17] =	ssyncadd.s32 $0xFFFFEC00  }
0x25: {  	[spmem:s3] =	stream.indirect.scatter.add.bf16 [tilespmem:s15], [sflag:$0x3], $0x40, s26, s14, $0xb8;
	[tilespmem:$0x11420] =	vst v63  }
0x26: {  	_ =	swait.ge [sflag:s18], $0x1400  }
0x27: {  	[sflag:s18] =	ssyncset.done $0x0  }
0x28: {  	s30 =	simm.s32 $0x2760;
	[sflag:s18] =	ssyncadd.s32 $0xFFFFEC00  }
0x29: {  	[spmem:s3] =	stream.indirect.scatter.add.bf16 [tilespmem:s16], [sflag:$0x4], $0x40, s30, s14, $0xb8;
	[tilespmem:$0x11420] =	vst v63  }
0x2a: {  	_ =	swait.ge [sflag:s19], $0x1400  }
0x2b: {  	[sflag:s19] =	ssyncset.done $0x0  }
0x2c: {  	s31 =	simm.s32 $0xA0;
	[sflag:s19] =	ssyncadd.s32 $0xFFFFEC00  }
0x2d: {  	[tilespmem:s15], [sflag:$0x1] =	stream.indirect.gather [hbm4b:s2+s14], $0x40, s31, s14, $0xb8;
	[tilespmem:$0x11420] =	vst v63  }
0x2e: {  	_ =	swait.ge [sflag:s20], $0x1400  }
0x2f: {  	[sflag:s20] =	ssyncset.done $0x0  }
0x30: {  	s28 =	simm.s32 $0xF0;
	s26 =	simm.s32 $0x280;
	[sflag:s20] =	ssyncadd.s32 $0xFFFFEC00  }
.LBB2_2:
0x31: {  	[tilespmem:s16], [sflag:$0x2] =	stream.indirect.gather [hbm4b:s2+s14], $0x40, s28, s14, $0xb8;
	[tilespmem:$0x11420] =	vst v63  }
0x32: {  	s28 =	smov.u32 s26  }
0x33: {  	p0 =	sne.s32 s26, $0x9600;
	s26 =	sadd.s32 $0x280, s26;
	_ =	swait.ge [sflag:s17], $0x1400  }
0x34: {  	s28 =	sshra.s32 s28, $0x2;
	[sflag:s17] =	ssyncset.done $0x0  }
0x35: {  	s29 =	sadd.s32 $0x2710, s28;
	[sflag:s17] =	ssyncadd.s32 $0xFFFFEC00  }
0x36: {  	[spmem:s3] =	stream.indirect.scatter.add.bf16 [tilespmem:s15], [sflag:$0x3], $0x40, s29, s14, $0xb8;
	[tilespmem:$0x11420] =	vst v63  }
0x37: {  	_ =	swait.ge [sflag:s18], $0x1400  }
0x38: {  	[sflag:s18] =	ssyncset.done $0x0  }
0x39: {  	s29 =	sadd.s32 $0x2760, s28;
	[sflag:s18] =	ssyncadd.s32 $0xFFFFEC00  }
0x3a: {  	[spmem:s3] =	stream.indirect.scatter.add.bf16 [tilespmem:s16], [sflag:$0x4], $0x40, s29, s14, $0xb8;
	[tilespmem:$0x11420] =	vst v63  }
0x3b: {  	_ =	swait.ge [sflag:s19], $0x1400  }
0x3c: {  	[sflag:s19] =	ssyncset.done $0x0  }
.Ltmp0:
0x3d: {  	s29 =	sadd.s32 $0xA0, s28;
	[sflag:s19] =	ssyncadd.s32 $0xFFFFEC00;
	(pc) =	sbr.rel @p0 .LBB2_2-.Ltmp0, $4  }
0x3e: {  	[tilespmem:s15], [sflag:$0x1] =	stream.indirect.gather [hbm4b:s2+s14], $0x40, s29, s14, $0xb8;
	[tilespmem:$0x11420] =	vst v63  }
0x3f: {  	_ =	swait.ge [sflag:s20], $0x1400  }
0x40: {  	[sflag:s20] =	ssyncset.done $0x0  }
0x41: {  	s28 =	sadd.s32 $0xF0, s28;
	[sflag:s20] =	ssyncadd.s32 $0xFFFFEC00  }
0x42: {  	[tilespmem:s16], [sflag:$0x2] =	stream.indirect.gather [hbm4b:s2+s14], $0x40, s28, s14, $0xb8;
	[tilespmem:$0x11420] =	vst v63  }
0x43: {  	_ =	swait.ge [sflag:s17], $0x1400  }
0x44: {  	[sflag:s17] =	ssyncset.done $0x0  }
0x45: {  	[sflag:s17] =	ssyncadd.s32 $0xFFFFEC00  }
0x46: {  	[spmem:s3] =	stream.indirect.scatter.add.bf16 [tilespmem:s15], [sflag:$0x3], $0x40, s21, s14, $0xb8;
	[tilespmem:$0x11420] =	vst v63  }
0x47: {  	_ =	swait.ge [sflag:s18], $0x1400  }
0x48: {  	[sflag:s18] =	ssyncset.done $0x0  }
0x49: {  	[sflag:s18] =	ssyncadd.s32 $0xFFFFEC00  }
0x4a: {  	[spmem:s3] =	stream.indirect.scatter.add.bf16 [tilespmem:s16], [sflag:$0x4], $0x40, s22, s14, $0xb8;
	[tilespmem:$0x11420] =	vst v63  }
0x4b: {  	_ =	swait.ge [sflag:s19], $0x1400  }
0x4c: {  	[sflag:s19] =	ssyncset.done $0x0  }
0x4d: {  	[sflag:s19] =	ssyncadd.s32 $0xFFFFEC00  }
0x4e: {  	[tilespmem:s15], [sflag:$0x1] =	stream.indirect.gather [hbm4b:s2+s14], $0x40, s23, s14, $0xb8;
	[tilespmem:$0x11420] =	vst v63  }
0x4f: {  	_ =	swait.ge [sflag:s20], $0x1400  }
0x50: {  	[sflag:s20] =	ssyncset.done $0x0  }
0x51: {  	[sflag:s20] =	ssyncadd.s32 $0xFFFFEC00  }
0x52: {  	_ =	swait.ge [sflag:s17], $0x1400  }
0x53: {  	[sflag:s17] =	ssyncset.done $0x0  }
0x54: {  	[sflag:s17] =	ssyncadd.s32 $0xFFFFEC00  }
0x55: {  	[spmem:s3] =	stream.indirect.scatter.add.bf16 [tilespmem:s15], [sflag:$0x5], $0x40, s24, s14, $0xb8;
	[tilespmem:$0x11420] =	vst v63  }
0x56: {  	_ =	swait.ge [sflag:s12], $0x1400  }
0x57: {  	s25 =	sadd.s32 $0x1, s25;
	[sflag:s12] =	ssyncset.done $0x0  }
0x58: {  	p0 =	sne.s32 s25, s10;
	[sflag:s12] =	ssyncadd.s32 $0xFFFFEC00  }
.Ltmp1:
0x59: {  	[bflag:$0x0] =	sbarrier.arrive $0xFFFF;
	(pc) =	sbr.rel @p0 .LBB2_1-.Ltmp1, $4  }
0x5a: {  	[hbm:s9], [sflag:s6] =	dma.local [spmem:s11], $0x13C0  }
0x5b: {  	_ =	swait.ge [sflag:s12], $0x13C0  }
0x5c: {  	[sflag:s12] =	ssyncset.done $0x0  }
0x5d: {  	[sflag:s12] =	ssyncadd.s32 $0xFFFFEC40  }
0x5e: {  	_ =	sfence.sel $0x180000  }
0x5f: {  	[bflag:$0x0] =	sbarrier.arrive $0xFFFF  }
0x60: {  	p0 =	sne.s32 s1, $0x0;
	_ =	strace $0x9000004D  }
0x61: {  	s0 =	sadd.s32 @!p0 $0x100000, s0;
	[bflag:$0x2] =	sbarrier.arrive $0xFFFF  }
0x62: {  	[sflag:s0] =	ssyncadd.tile.s32 @!p0 $0x1;
	_ =	shalt  }
.Lfunc_end2:
_tile_overlayer_lowered:
.L_overlay_start_2:
0x63: {  	(tag) =	ssettag $0x2  }
0x64: {  	s0 =	rddreg [dreg:$0x0];
	s2 =	stileid.u32  }
0x65: {  	s1 =	rddreg [dreg:$0x1];
	p0 =	sne.s32 s2, $0x0  }
0x66: {  	s3 =	rddreg [dreg:$0x2];
	[bflag:$0x3] =	sbarrier.arrive $0xFFFF;
	s2 =	simm.s32 @!p0 $0x1C05  }
0x67: {  	[timem:s3], [sflag:s2] =	dma.local @!p0 [hbm:s0], s1  }
0x68: {  	s0 =	simm.s32 @!p0 $0x5  }
0x69: {  	_ =	swait.ge @!p0 [sflag:s0], s1  }
0x6a: {  	s1 =	ssub.s32 @!p0 $0x0, s1;
	[sflag:s0] =	ssyncset.done @!p0 $0x0  }
0x6b: {  	[sflag:s0] =	ssyncadd.s32 @!p0 s1  }
0x6c: {  	[bflag:$0x3] =	sbarrier.arrive $0xFFFF  }
0x6d: {  	_ =	shalt  }

// kernel: kernel.8.cloned.1.call-start
scs
__scs_entry_jumppad:
0x0: {  	(pc) =	sbr.rel $0x88, $3  }
0x1: {  	(tag) =	ssettag $0x0;
	lr =	simm.s32 $0x1  }
0x2: {  	[smem:$0x3F9B] =	sst lr;
	_ =	strace $0xD0000000  }
0x3: {  	_ = 	snop  }
0x4: {  	_ = 	snop  }
0x5: {  	_ = 	snop  }
0x6: {  	_ = 	snop  }
0x7: {  	_ = 	snop  }
__scs_overlays_trampoline_lowered:
0x8: {  	[smem:$0x3FAA] =	sst s0  }
0x9: {  	[smem:$0x3FAB] =	sst s1  }
0xa: {  	[smem:$0x3FAC] =	sst s2  }
0xb: {  	[smem:$0x3FAD] =	sst s3  }
0xc: {  	[smem:$0x3FAE] =	sst s4  }
0xd: {  	[smem:$0x3FAF] =	sst s5  }
0xe: {  	[smem:$0x3FB0] =	sst s6  }
0xf: {  	[smem:$0x3FB1] =	sst s7  }
0x10: {  	[smem:$0x3FB2] =	sst s8  }
0x11: {  	[smem:$0x3FB3] =	sst s9;
	s0 =	simm.s32 @!p0 $0x0  }
0x12: {  	s1 =	sld [smem:$0x3F99];
	s0 =	simm.s32 @p0 $0x1  }
0x13: {  	[smem:$0x3FB4] =	sst s0;
	s0 =	simm.s32 @!p1 $0x0  }
0x14: {  	s2 =	sld [smem:$0x3F98];
	s0 =	simm.s32 @p1 $0x1  }
0x15: {  	[smem:$0x3FB5] =	sst s0;
	s0 =	simm.s32 @!p2 $0x0  }
0x16: {  	s3 =	sld [smem:$0x3FDB];
	s0 =	simm.s32 @p2 $0x1  }
0x17: {  	s4 =	simm.s32 $0x1BF5;
	[smem:$0x3FB7] =	sst s0  }
0x18: {  	s0 =	sld [smem:$0x3F9A];
	_ =	swait.ge [sflag:s4], $0x0  }
0x19: {  	s7 =	sld [smem:$0x3F9B]  }
0x1a: {  	s8 =	sadd.s32 $0xFFFFE003, lr  }
0x1b: {  	s9 =	sadd.s32 $0xFFFFFEF7, lr;
	s5 =	simm.s32 $0xFFFFFFFF;
	p2 =	slt.u32 s8, $0xFFFFF086  }
0x1c: {  	p1 =	slt.u32 s9, $0xF7A;
	s5 =	simm.s32 @!p2 $0x0  }
0x1d: {  	s5 =	simm.s32 @p1 $0x1;
	p0 =	seq.s32 s7, s2  }
0x1e: {  	s7 =	smul.u32 @!p0 $0xF7A, s2;
	p2 =	seq.s32 @!p0 s5, $0x0  }
0x1f: {  	s9 =	smul.u32 $0xF7A, s1;
	s8 =	simm.s32 @!p0 $0x1BF5;
	p2 =	por !p2, p0  }
0x20: {  	[sflag:s8] =	ssyncset.s32 @!p0 $0xFFFFF086;
	s6 =	sadd.s32 @!p0 s3, s7;
	s7 =	simm.s32 @!p0 $0x108  }
0x21: {  	s3 =	sadd.s32 s3, s9;
	s6 =	sadd.s32 @!p0 $0x88, s6;
	s7 =	simm.s32 @p2 $0x1082  }
0x22: {  	[simem:s7], [sflag:s8] =	dma.local @!p0 [hbm:s6], $0xF7A  }
0x23: {  	s9 =	sor.u32 $0xD0000000, s2;
	s6 =	simm.s32 $0x108;
	_ =	swait.ge @!p0 [sflag:s8], $0x0  }
0x24: {  	s3 =	sadd.s32 $0x88, s3;
	s6 =	simm.s32 @!p1 $0x1082;
	[sflag:s4] =	ssyncset.s32 $0xFFFFF086  }
0x25: {  	[simem:s6], [sflag:s4] =	dma.local [hbm:s3], $0xF7A  }
0x26: {  	[smem:$0x3F9B] =	sst s1;
	(tag) =	ssettag s2;
	_ =	strace s9  }
0x27: {  	s1 =	sld [smem:$0x3FAB]  }
0x28: {  	s2 =	sld [smem:$0x3FAC]  }
0x29: {  	s4 =	sld [smem:$0x3FAE]  }
0x2a: {  	p0 =	seq.s32 s5, $0x0;
	s5 =	sld [smem:$0x3FAF]  }
0x2b: {  	s6 =	sld [smem:$0x3FB0]  }
0x2c: {  	s7 =	sld [smem:$0x3FB1]  }
0x2d: {  	s3 =	simm.s32 $0x108;
	s8 =	sld [smem:$0x3FB2]  }
0x2e: {  	s3 =	simm.s32 @!p0 $0x1082;
	s9 =	sld [smem:$0x3FB3]  }
0x2f: {  	lr =	sadd.s32 s0, s3;
	s0 =	sld [smem:$0x3FAA]  }
0x30: {  	s3 =	sld [smem:$0x3FAD]  }
0x31: {  	[smem:$0x3FB6] =	sst s10  }
0x32: {  	s10 =	sld [smem:$0x3FB4];
	_ =	sdelay $0x3  }
0x33: {  	p0 =	seq.s32 s10, $0x1;
	s10 =	sld [smem:$0x3FB6];
	_ =	sdelay $0x3  }
0x34: {  	[smem:$0x3FB6] =	sst s10  }
0x35: {  	s10 =	sld [smem:$0x3FB5];
	_ =	sdelay $0x3  }
0x36: {  	p1 =	seq.s32 s10, $0x1;
	s10 =	sld [smem:$0x3FB6];
	_ =	sdelay $0x3  }
0x37: {  	[smem:$0x3FB6] =	sst s10  }
0x38: {  	s10 =	sld [smem:$0x3FB7]  }
0x39: {  	_ = 	snop;
	(pc) =	sbr.ind lr, $3  }
0x3a: {  	_ = 	snop  }
0x3b: {  	_ = 	snop  }
0x3c: {  	p2 =	seq.s32 s10, $0x1;
	s10 =	sld [smem:$0x3FB6]  }
0x3d: {  	_ =	shalt  }
0x3e: {  	_ =	shalt  }
0x3f: {  	_ =	shalt  }
0x40: {  	_ =	shalt  }
0x41: {  	_ =	shalt  }
0x42: {  	_ =	shalt  }
0x43: {  	_ =	shalt  }
0x44: {  	_ =	shalt  }
0x45: {  	_ =	shalt  }
0x46: {  	_ =	shalt  }
0x47: {  	_ =	shalt  }
0x48: {  	_ =	shalt  }
0x49: {  	_ =	shalt  }
0x4a: {  	_ =	shalt  }
0x4b: {  	_ =	shalt  }
0x4c: {  	_ =	shalt  }
0x4d: {  	_ =	shalt  }
0x4e: {  	_ =	shalt  }
0x4f: {  	_ =	shalt  }
0x50: {  	_ =	shalt  }
0x51: {  	_ =	shalt  }
0x52: {  	_ =	shalt  }
0x53: {  	_ =	shalt  }
0x54: {  	_ =	shalt  }
0x55: {  	_ =	shalt  }
0x56: {  	_ =	shalt  }
0x57: {  	_ =	shalt  }
0x58: {  	_ =	shalt  }
0x59: {  	_ =	shalt  }
0x5a: {  	_ =	shalt  }
0x5b: {  	_ =	shalt  }
0x5c: {  	_ =	shalt  }
0x5d: {  	_ =	shalt  }
0x5e: {  	_ =	shalt  }
0x5f: {  	_ =	shalt  }
0x60: {  	_ =	shalt  }
0x61: {  	_ =	shalt  }
0x62: {  	_ =	shalt  }
0x63: {  	_ =	shalt  }
0x64: {  	_ =	shalt  }
0x65: {  	_ =	shalt  }
0x66: {  	_ =	shalt  }
0x67: {  	_ =	shalt  }
0x68: {  	_ =	shalt  }
0x69: {  	_ =	shalt  }
0x6a: {  	_ =	shalt  }
0x6b: {  	_ =	shalt  }
0x6c: {  	_ =	shalt  }
0x6d: {  	_ =	shalt  }
0x6e: {  	_ =	shalt  }
0x6f: {  	_ =	shalt  }
0x70: {  	_ =	shalt  }
0x71: {  	_ =	shalt  }
0x72: {  	_ =	shalt  }
0x73: {  	_ =	shalt  }
0x74: {  	_ =	shalt  }
0x75: {  	_ =	shalt  }
0x76: {  	_ =	shalt  }
0x77: {  	_ =	shalt  }
0x78: {  	_ =	shalt  }
0x79: {  	_ =	shalt  }
0x7a: {  	_ =	shalt  }
0x7b: {  	_ =	shalt  }
0x7c: {  	_ =	shalt  }
0x7d: {  	_ =	shalt  }
0x7e: {  	_ =	shalt  }
0x7f: {  	_ =	shalt  }
0x80: {  	_ =	shalt  }
0x81: {  	_ =	shalt  }
0x82: {  	_ =	shalt  }
0x83: {  	_ =	shalt  }
0x84: {  	_ =	shalt  }
0x85: {  	_ =	shalt  }
0x86: {  	_ =	shalt  }
0x87: {  	_ =	shalt  }
.Lfunc_end0:
.L_simem_size_0:
called_computation_lowered:
.L_overlay_start_0:
0x88: {  	s2 =	sld [smem:$0x3FD9]  }
0x89: {  	s3 =	sld [smem:$0x3FFE];
	_ =	sdelay $0x1  }
0x8a: {  	s1 =	srdreg.scid  }
0x8b: {  	s0 =	sand.u32 $0x1, s1  }
0x8c: {  	s17 =	sshll.u32 s0, $0xA;
	s2 =	sadd.s32 s3, s2  }
0x8d: {  	s2 =	sadd.s32 s2, s17  }
0x8e: {  	[smem:$0x3FC2] =	sst s2  }
0x8f: {  	_ = 	snop  }
0x90: {  	s2 =	sld [smem:$0x3FD0];
	(tm) =	ssettm $0x1  }
0x91: {  	s18 =	sld [smem:$0x3FFB];
	_ =	sdelay $0x3  }
0x92: {  	_ =	strace s18  }
0x93: {  	s3 =	sld [smem:$0x3FFC];
	_ =	sdelay $0x3  }
0x94: {  	_ =	strace s3  }
0x95: {  	s3 =	sld [smem:$0x3FFD];
	_ =	sdelay $0x3  }
0x96: {  	_ =	strace s3  }
0x97: {  	_ =	strace $0x8FFFFFFF  }
0x98: {  	s19 =	sld [smem:$0x3FDB];
	_ =	sdelay $0x1  }
0x99: {  	s4 =	simm.s32 $_scs_section_size  }
0x9a: {  	s5 =	simm.s32 $_size__tile_overlayer_lowered;
	s6 =	simm.s32 $_tile_overlayer_lowered  }
0x9b: {  	s22 =	simm.s32 $0x1BFF;
	s21 =	sshll.u32 s6, $0x1;
	s3 =	sadd.s32 s4, s19  }
0x9c: {  	s7 =	simm.s32 $0x0;
	s20 =	sshll.u32 s5, $0x1;
	s5 =	sadd.s32 s21, s3  }
0x9d: {  	[timem:s7], [sflag:s22] =	dma.local [hbm:s5], s20  }
0x9e: {  	_ =	swait.ge [sflag:s22], s20  }
0x9f: {  	s4 =	ssub.s32 $0x0, s20;
	[sflag:s22] =	ssyncset.done $0x0  }
0xa0: {  	[sflag:s22] =	ssyncadd.s32 s4;
	_ =	sdelay $0x1  }
0xa1: {  	s23 =	simm.s32 $0x1B8B  }
0xa2: {  	_ =	swait.ge [sflag:s23], $0x1  }
0xa3: {  	[sflag:s23] =	ssyncset.done $0x0  }
0xa4: {  	s25 =	simm.s32 $0x1B8E;
	s24 =	sld [smem:$0x3FFE];
	[sflag:s23] =	ssyncadd.s32 $0xFFFFFFFF  }
0xa5: {  	s26 =	simm.s32 $execute0_lowered;
	[smem:$0x3FD2] =	sst s25  }
0xa6: {  	s5 =	sshll.u32 s26, $0x1;
	_ =	strace $0x80000046;
	[dreg:$0x1] =	wrdreg $0xFFFFFFFF  }
0xa7: {  	s28 =	simm.s32 $_size_execute0_lowered;
	s3 =	sadd.s32 s3, s5;
	[dreg:$0x0] =	wrdreg $0x0  }
0xa8: {  	s5 =	sshll.u32 s28, $0x1;
	[dreg:$0x2] =	wrdreg s3  }
0xa9: {  	[dreg:$0x3] =	wrdreg s5  }
0xaa: {  	[dreg:$0x4] =	wrdreg $0xC0  }
0xab: {  	_ =	task [dreg:s7], $0x5FFFF  }
0xac: {  	[dreg:$0x1] =	wrdreg $0xFFFFFFFF  }
0xad: {  	[dreg:$0x0] =	wrdreg $0x60  }
0xae: {  	[dreg:$0x2] =	wrdreg s24  }
0xaf: {  	[dreg:$0x3] =	wrdreg s2  }
0xb0: {  	[dreg:$0x4] =	wrdreg $0x29900  }
0xb1: {  	[dreg:$0x5] =	wrdreg $0x9  }
0xb2: {  	_ =	task.clear_ibuf [dreg:s7], $0x6FFFF;
	_ =	strace $0x90000046  }
0xb3: {  	s29 =	simm.s32 $0x9;
	_ =	strace $0x80000048  }
0xb4: {  	_ =	swait.ge [sflag:s29], $0x1  }
0xb5: {  	[sflag:s29] =	ssyncadd.s32 $0xFFFFFFFF  }
0xb6: {  	_ =	strace $0x90000048  }
0xb7: {  	_ =	sfence  }
0xb8: {  	s30 =	sld [smem:$0x0];
	_ =	sdelay $0x2  }
0xb9: {  	s31 =	sshll.u32 s1, $0xD;
	s1 =	sshrl.u32 s1, $0x2  }
0xba: {  	s3 =	sand.u32 $0x4000, s31;
	s1 =	sadd.s32 s1, s30  }
0xbb: {  	s0 =	sor.u32 s3, s0;
	s1 =	sshll.u32 s1, $0x11  }
0xbc: {  	s0 =	sor.u32 s1, s0  }
0xbd: {  	s0 =	sadd.s32 $0x8F2B, s0  }
0xbe: {  	[sflag:s0] =	ssyncadd.remote.s32 $0x1  }
0xbf: {  	_ =	sfence.sel $0xFFFF  }
0xc0: {  	[dreg:$0x0] =	wrdreg $0xFFFFFFFF;
	(pc) =	sbr.abs _section_cstart, $3  }
0xc1: {  	[dreg:$0x1] =	wrdreg $0xFFFFFFFF  }
0xc2: {  	_ =	task.clear_ibuf [dreg:s7], $0x2FFFF;
	_ =	strace $0x9FFFFFFF  }
0xc3: {  	(tm) =	ssettm $0x7FFFFFFF  }
tec
execute0_lowered:
.L_overlay_start_1:
0x0: {  	(tag) =	ssettag $0x1  }
0x1: {  	s5 =	rddreg [dreg:$0x0]  }
0x2: {  	s8 =	rddreg [dreg:$0x1]  }
0x3: {  	s0 =	srdreg.scid;
	s2 =	rddreg [dreg:$0x2]  }
0x4: {  	s3 =	simm.s32 $0x0;
	s13 =	simm.s32 $0x28;
	s14 =	simm.s32 $0x0  }
0x5: {  	s4 =	sand.u32 $0x1, s0;
	s0 =	stileid.u32;
	[smem:$0x7FF] =	sst s3  }
0x6: {  	s1 =	sshll.u32 s4, $0x4;
	s7 =	smul.u32 $0x2780, s0;
	s9 =	ssub.s32 $0x2, s4  }
0x7: {  	s10 =	smul.u32 $0x27800, s4;
	s4 =	sadd.s32 $0x15A00, s5;
	s31 =	sshll.u32 s0, $0x6  }
0x8: {  	s6 =	sor.u32 s0, s1;
	s1 =	rddreg [dreg:$0x3];
	_ =	strace $0x80000047  }
0x9: {  	s28 =	sshrl.u32 s9, $0x1;
	s6 =	smul.u32 $0x4E2, s6;
	s29 =	sadd.s32 s7, s10  }
0xa: {  	s9 =	ssub.s32 s9, s28;
	s30 =	sadd.s32 s7, s2;
	s12 =	sshrl.u32 s29, $0x3  }
0xb: {  	s9 =	smax.u32 s9, $0x1;
	s10 =	sshrl.u32 s30, $0x3;
	s11 =	sadd.s32 s6, s5  }
0xc: {  	s5 =	sadd.s32 $0x15400, s5;
	s6 =	sor.u32 $0x1C01, s31;
	s8 =	sadd.s32 s8, s12  }
0xd: {  	s12 =	simm.s32 $0x2710;
	s7 =	sadd.s32 $0x1800, s11;
	s11 =	simm.s32 $0x1  }
.LBB2_1:
0xe: {  	[spmem:s10], [sflag:s6] =	dma.local [hbm:s5], $0x4F0  }
0xf: {  	_ =	swait.ge [sflag:s11], $0x4F0  }
0x10: {  	[sflag:s11] =	ssyncset.done $0x0  }
0x11: {  	[sflag:s11] =	ssyncadd.s32 $0xFFFFFB10  }
0x12: {  	[tilespmem:s3], [sflag:$0x1] =	stream.linear.gather [hbm4b:s7+s3], $0x2710, $0x38;
	[tilespmem:$0x5110] =	vst v63  }
0x13: {  	_ =	swait.ge [sflag:s11], $0x2710  }
0x14: {  	[sflag:s11] =	ssyncset.done $0x0  }
0x15: {  	[sflag:s11] =	ssyncadd.s32 $0xFFFFD8F0  }
0x16: {  	[tilespmem:s12], [sflag:$0x1] =	stream.linear.gather [hbm4b:s4+s3], $0x280, $0x38;
	[tilespmem:$0x5110] =	vst v63  }
0x17: {  	_ =	swait.ge [sflag:s11], $0x280  }
0x18: {  	[sflag:s11] =	ssyncset.done $0x0  }
0x19: {  	[sflag:s11] =	ssyncadd.s32 $0xFFFFFD80  }
0x1a: {  	s15 =	simm.s32 $0x0;
	[bflag:$0x0] =	sbarrier.arrive $0xFFFF  }
0x1b: {  	[spmem:s2] =	stream.indirect.scatter.add.f32 [tilespmem:s12], [sflag:$0x1], $0x10, s15, s13, $0xb8;
	[tilespmem:$0x5110] =	vst v63  }
0x1c: {  	_ =	swait.ge [sflag:s11], $0x280  }
0x1d: {  	s15 =	simm.s32 $0xA0;
	[sflag:s11] =	ssyncset.done $0x0  }
.LBB2_2:
0x1e: {  	s16 =	sshra.s32 s15, $0x2;
	[sflag:s11] =	ssyncadd.s32 $0xFFFFFD80;
	p0 =	sne.s32 s15, $0x9BA0  }
0x1f: {  	[spmem:s2] =	stream.indirect.scatter.add.f32 [tilespmem:s12], [sflag:$0x1], $0x10, s16, s13, $0xb8;
	[tilespmem:$0x5110] =	vst v63  }
.Ltmp0:
0x20: {  	_ = 	snop;
	(pc) =	sbr.rel @p0 .LBB2_2-.Ltmp0, $4  }
0x21: {  	_ = 	snop  }
0x22: {  	s15 =	sadd.s32 $0xA0, s15  }
0x23: {  	_ =	swait.ge [sflag:s11], $0x280  }
0x24: {  	[sflag:s11] =	ssyncset.done $0x0  }
0x25: {  	s14 =	sadd.s32 $0x1, s14  }
0x26: {  	[sflag:s11] =	ssyncadd.s32 $0xFFFFFD80;
	p0 =	sne.s32 s14, s9  }
.Ltmp1:
0x27: {  	[bflag:$0x0] =	sbarrier.arrive $0xFFFF;
	(pc) =	sbr.rel @p0 .LBB2_1-.Ltmp1, $4  }
0x28: {  	[hbm:s8], [sflag:s6] =	dma.local [spmem:s10], $0x4F0  }
0x29: {  	_ =	swait.ge [sflag:s11], $0x4F0  }
0x2a: {  	[sflag:s11] =	ssyncset.done $0x0  }
0x2b: {  	[sflag:s11] =	ssyncadd.s32 $0xFFFFFB10  }
0x2c: {  	_ =	sfence.sel $0x180000  }
0x2d: {  	[bflag:$0x0] =	sbarrier.arrive $0xFFFF  }
0x2e: {  	p0 =	sne.s32 s0, $0x0;
	_ =	strace $0x90000047  }
0x2f: {  	s0 =	sadd.s32 @!p0 $0x100000, s1;
	[bflag:$0x2] =	sbarrier.arrive $0xFFFF  }
0x30: {  	[sflag:s0] =	ssyncadd.tile.s32 @!p0 $0x1;
	_ =	shalt  }
.Lfunc_end2:
_tile_overlayer_lowered:
.L_overlay_start_2:
0x31: {  	(tag) =	ssettag $0x2  }
0x32: {  	s0 =	rddreg [dreg:$0x0];
	s2 =	stileid.u32  }
0x33: {  	s1 =	rddreg [dreg:$0x1];
	p0 =	sne.s32 s2, $0x0  }
0x34: {  	s3 =	rddreg [dreg:$0x2];
	[bflag:$0x3] =	sbarrier.arrive $0xFFFF;
	s2 =	simm.s32 @!p0 $0x1C01  }
0x35: {  	[timem:s3], [sflag:s2] =	dma.local @!p0 [hbm:s0], s1  }
0x36: {  	s0 =	simm.s32 @!p0 $0x1  }
0x37: {  	_ =	swait.ge @!p0 [sflag:s0], s1  }
0x38: {  	s1 =	ssub.s32 @!p0 $0x0, s1;
	[sflag:s0] =	ssyncset.done @!p0 $0x0  }
0x39: {  	[sflag:s0] =	ssyncadd.s32 @!p0 s1  }
0x3a: {  	[bflag:$0x3] =	sbarrier.arrive $0xFFFF  }
0x3b: {  	_ =	shalt  }

</sc_bundles>
